<compile_context>
chip_gen: v7x
topology: tpu7x:2x2x1
jax: 0.10.2.dev20260603
libtpu: 0.0.44.dev20260713+nightly
codegen_flags: <defaults>
</compile_context>

<pallas_src>
import functools

import jax
import jax.numpy as jnp
from jax import lax
from jax.experimental import pallas as pl
from jax.experimental.pallas import tpu as pltpu
from jax.experimental.pallas import tpu_sc as plsc

S = 2048
H = 1024
E = 8
I = 2048

BLK = 128
NBLK = (2 * S + E * (BLK - 1) + BLK - 1) // BLK
CAP = NBLK * BLK

NC = 2
NS = 16
NW = NC * NS
TPW = S // NW


def _router_body(hs_ref, gw_ref, pos1_ref, pos2_ref, w1_ref, w2_ref, be_ref,
                 first_ref, par_ref, next_ref, has_ref):
    x = hs_ref[...]
    gw = gw_ref[...]
    logits = lax.dot_general(x, gw, (((1,), (1,)), ((), ())),
                             preferred_element_type=jnp.float32)

    eio = lax.broadcasted_iota(jnp.int32, (S, E), 1)
    m1 = jnp.max(logits, axis=1, keepdims=True)
    i1 = jnp.min(jnp.where(logits == m1, eio, E), axis=1, keepdims=True)
    rest = jnp.where(eio == i1, -jnp.inf, logits)
    m2 = jnp.max(rest, axis=1, keepdims=True)
    i2 = jnp.min(jnp.where(rest == m2, eio, E), axis=1, keepdims=True)

    w1 = 1.0 / (1.0 + jnp.exp(m2 - m1))
    w1_ref[...] = w1
    w2_ref[...] = 1.0 - w1

    mask1 = (eio == i1).astype(jnp.float32)
    mask2 = (eio == i2).astype(jnp.float32)

    rio = lax.broadcasted_iota(jnp.int32, (S, S), 0)
    cio = lax.broadcasted_iota(jnp.int32, (S, S), 1)
    tri = (rio >= cio).astype(jnp.float32)
    cum1 = lax.dot_general(tri, mask1, (((1,), (0,)), ((), ())),
                           preferred_element_type=jnp.float32)
    cum2 = lax.dot_general(tri, mask2, (((1,), (0,)), ((), ())),
                           preferred_element_type=jnp.float32)

    c1 = jnp.sum(mask1, axis=0, keepdims=True)
    c2 = jnp.sum(mask2, axis=0, keepdims=True)
    loc1 = cum1 - 1.0
    loc2 = cum2 - 1.0 + c1
    total = (c1 + c2).astype(jnp.int32)
    padded = ((total + (BLK - 1)) // BLK) * BLK
    eri = lax.broadcasted_iota(jnp.int32, (E, E), 0)
    eci = lax.broadcasted_iota(jnp.int32, (E, E), 1)
    etri = (eri < eci).astype(jnp.float32)
    off = lax.dot_general(padded.astype(jnp.float32), etri,
                          (((1,), (0,)), ((), ())),
                          preferred_element_type=jnp.float32)

    pos1_ref[...] = jnp.sum(mask1 * (off + loc1), axis=1,
                            keepdims=True).astype(jnp.int32)
    pos2_ref[...] = jnp.sum(mask2 * (off + loc2), axis=1,
                            keepdims=True).astype(jnp.int32)

    ioff = off.astype(jnp.int32)
    ends = (ioff + padded) // BLK
    bio = lax.broadcasted_iota(jnp.int32, (NBLK, E), 0)
    eio_b = lax.broadcasted_iota(jnp.int32, (NBLK, E), 1)
    ends_b = jnp.broadcast_to(ends, (NBLK, E))
    be = jnp.sum((ends_b <= bio).astype(jnp.int32),
                 axis=1, keepdims=True)
    be = jnp.minimum(be, E - 1)
    be_ref[...] = be

    starts_b = jnp.broadcast_to(ioff // BLK, (NBLK, E))
    nonempty = jnp.broadcast_to(padded > 0, (NBLK, E))
    first = (jnp.sum(((starts_b == bio) & nonempty).astype(jnp.int32),
                     axis=1, keepdims=True) > 0).astype(jnp.int32)
    first_ref[...] = first
    bri = lax.broadcasted_iota(jnp.int32, (NBLK, NBLK), 0)
    bci = lax.broadcasted_iota(jnp.int32, (NBLK, NBLK), 1)
    btri = (bri >= bci).astype(jnp.float32)
    gidx = lax.dot_general(btri, first.astype(jnp.float32),
                           (((1,), (0,)), ((), ())),
                           preferred_element_type=jnp.float32)
    gidx = gidx.astype(jnp.int32) - 1
    par_ref[...] = lax.rem(gidx, 2)
    cand = (eio_b > jnp.broadcast_to(be, (NBLK, E))) & nonempty
    nxt = jnp.min(jnp.where(cand, eio_b, E), axis=1, keepdims=True)
    has_ref[...] = (nxt < E).astype(jnp.int32)
    next_ref[...] = jnp.minimum(nxt, E - 1)


_router = pl.pallas_call(
    _router_body,
    out_shape=[
        jax.ShapeDtypeStruct((S, 1), jnp.int32),
        jax.ShapeDtypeStruct((S, 1), jnp.int32),
        jax.ShapeDtypeStruct((S, 1), jnp.float32),
        jax.ShapeDtypeStruct((S, 1), jnp.float32),
        jax.ShapeDtypeStruct((NBLK, 1), jnp.int32),
        jax.ShapeDtypeStruct((NBLK, 1), jnp.int32),
        jax.ShapeDtypeStruct((NBLK, 1), jnp.int32),
        jax.ShapeDtypeStruct((NBLK, 1), jnp.int32),
        jax.ShapeDtypeStruct((NBLK, 1), jnp.int32),
    ],
)


@functools.lru_cache(maxsize=None)
def _sc_kernels():
    mesh = plsc.VectorSubcoreMesh(core_axis_name="c", subcore_axis_name="s",
                                  num_cores=NC, num_subcores=NS)

    @functools.partial(
        pl.kernel,
        mesh=mesh,
        out_type=jax.ShapeDtypeStruct((CAP, H), jnp.float32),
        scratch_types=[
            pltpu.VMEM((TPW,), jnp.int32),
            pltpu.VMEM((TPW,), jnp.int32),
            pltpu.VMEM((TPW, H), jnp.float32),
            pltpu.SemaphoreType.DMA,
        ],
    )
    def dispatch(hs_hbm, pos1_hbm, pos2_hbm, disp_hbm, idx1_v, idx2_v, rows_v,
                 sem):
        wid = lax.axis_index("s") * NC + lax.axis_index("c")
        base = wid * TPW
        pltpu.sync_copy(hs_hbm.at[pl.ds(base, TPW)], rows_v)
        pltpu.sync_copy(pos1_hbm.at[pl.ds(base, TPW)], idx1_v)
        pltpu.sync_copy(pos2_hbm.at[pl.ds(base, TPW)], idx2_v)
        pltpu.async_copy(rows_v, disp_hbm.at[idx1_v], sem).wait()
        pltpu.async_copy(rows_v, disp_hbm.at[idx2_v], sem).wait()

    @functools.partial(
        pl.kernel,
        mesh=mesh,
        out_type=jax.ShapeDtypeStruct((2 * S, H), jnp.float32),
        scratch_types=[
            pltpu.VMEM((TPW,), jnp.int32),
            pltpu.VMEM((TPW, H), jnp.float32),
            pltpu.SemaphoreType.DMA,
        ],
    )
    def gather_back(y_hbm, pos1_hbm, pos2_hbm, yg_hbm, idx_v, rows_v, sem):
        wid = lax.axis_index("s") * NC + lax.axis_index("c")
        base = wid * TPW
        pltpu.sync_copy(pos1_hbm.at[pl.ds(base, TPW)], idx_v)
        pltpu.async_copy(y_hbm.at[idx_v], rows_v, sem).wait()
        pltpu.sync_copy(rows_v, yg_hbm.at[pl.ds(base, TPW)])
        pltpu.sync_copy(pos2_hbm.at[pl.ds(base, TPW)], idx_v)
        pltpu.async_copy(y_hbm.at[idx_v], rows_v, sem).wait()
        pltpu.sync_copy(rows_v, yg_hbm.at[pl.ds(S + base, TPW)])

    return dispatch, gather_back


def _ffn_body(be_ref, first_ref, par_ref, next_ref, has_ref,
              x_ref, w13_hbm, w2_hbm, y_ref,
              w13_v, w2_v, sem13, sem2):
    i = pl.program_id(0)
    first = first_ref[i]
    p = par_ref[i]

    @pl.when(i == 0)
    def _():
        e0 = be_ref[0]
        pltpu.make_async_copy(w13_hbm.at[e0], w13_v.at[0], sem13.at[0]).start()
        pltpu.make_async_copy(w2_hbm.at[e0], w2_v.at[0], sem2.at[0]).start()

    @pl.when((first == 1) & (has_ref[i] == 1))
    def _():
        ne = next_ref[i]
        q = 1 - p
        pltpu.make_async_copy(w13_hbm.at[ne], w13_v.at[q], sem13.at[q]).start()
        pltpu.make_async_copy(w2_hbm.at[ne], w2_v.at[q], sem2.at[q]).start()

    @pl.when(first == 1)
    def _():
        e = be_ref[i]
        pltpu.make_async_copy(w13_hbm.at[e], w13_v.at[p], sem13.at[p]).wait()
        pltpu.make_async_copy(w2_hbm.at[e], w2_v.at[p], sem2.at[p]).wait()

    x = x_ref[...].astype(jnp.bfloat16)
    w13 = w13_v[p].astype(jnp.bfloat16)
    gu = lax.dot_general(x, w13, (((1,), (1,)), ((), ())),
                         preferred_element_type=jnp.float32)
    g = gu[:, :I]
    u = gu[:, I:]
    act = ((g * jax.nn.sigmoid(g)) * u).astype(jnp.bfloat16)
    w2e = w2_v[p].astype(jnp.bfloat16)
    y_ref[...] = lax.dot_general(act, w2e, (((1,), (1,)), ((), ())),
                                 preferred_element_type=jnp.float32)


_ffn = pl.pallas_call(
    _ffn_body,
    grid_spec=pltpu.PrefetchScalarGridSpec(
        num_scalar_prefetch=5,
        grid=(NBLK,),
        in_specs=[
            pl.BlockSpec((BLK, H), lambda i, *_: (i, 0)),
            pl.BlockSpec(memory_space=pl.ANY),
            pl.BlockSpec(memory_space=pl.ANY),
        ],
        out_specs=pl.BlockSpec((BLK, H), lambda i, *_: (i, 0)),
        scratch_shapes=[
            pltpu.VMEM((2, 2 * I, H), jnp.float32),
            pltpu.VMEM((2, H, I), jnp.float32),
            pltpu.SemaphoreType.DMA((2,)),
            pltpu.SemaphoreType.DMA((2,)),
        ],
    ),
    out_shape=jax.ShapeDtypeStruct((CAP, H), jnp.float32),
    compiler_params=pltpu.CompilerParams(
        dimension_semantics=("arbitrary",),
        vmem_limit_bytes=110 * 1024 * 1024,
    ),
)


_NCOMB = 8
_SB = S // _NCOMB


def _combine_body(y1_ref, y2_ref, w1_ref, w2_ref, o_ref):
    o_ref[...] = w1_ref[...] * y1_ref[...] + w2_ref[...] * y2_ref[...]


_combine = pl.pallas_call(
    _combine_body,
    grid=(_NCOMB,),
    in_specs=[
        pl.BlockSpec((_SB, H), lambda i: (i, 0)),
        pl.BlockSpec((_SB, H), lambda i: (i + _NCOMB, 0)),
        pl.BlockSpec((_SB, 1), lambda i: (i, 0)),
        pl.BlockSpec((_SB, 1), lambda i: (i, 0)),
    ],
    out_specs=pl.BlockSpec((_SB, H), lambda i: (i, 0)),
    out_shape=jax.ShapeDtypeStruct((S, H), jnp.float32),
)


def kernel(hidden_states, gate_weight, w13_weight, w2_weight):
    dispatch, gather_back = _sc_kernels()
    (pos1, pos2, w1, w2, be, first, par, nxt, has) = _router(
        hidden_states, gate_weight)
    pos1 = pos1.reshape(S)
    pos2 = pos2.reshape(S)
    disp = dispatch(hidden_states, pos1, pos2)
    y = _ffn(be.reshape(NBLK), first.reshape(NBLK), par.reshape(NBLK),
             nxt.reshape(NBLK), has.reshape(NBLK),
             disp, w13_weight, w2_weight)
    yg = gather_back(y, pos1, pos2)
    return _combine(yg, yg, w1, w2)

# --- scband reference (transcript-rebuilt; emitter-appended) ---
"""Pipeline reference for scband-epmixtral-mo-e-48722109006442 (READ-ONLY COPY).

The authoritative reference and input builder live on the scoring server;
editing this copy changes nothing except your own understanding.
"""

import jax, jax.numpy as jnp
import numpy as np

S = 2048
H = 1024
E = 8
I = 2048
TOPK = 2


def setup_inputs(seed: int = 0) -> dict:
    key = jax.random.key(seed)
    k1, k2, k3, k4 = jax.random.split(key, 4)
    hidden_states = jax.random.normal(k1, (S, H), dtype=jnp.float32)
    gate_weight = jax.random.normal(k2, (E, H), dtype=jnp.float32) * 0.02
    w13_weight = jax.random.normal(k3, (E, 2 * I, H), dtype=jnp.float32) * 0.02
    w2_weight = jax.random.normal(k4, (E, H, I), dtype=jnp.float32) * 0.02
    return {
        "hidden_states": hidden_states,
        "gate_weight": gate_weight,
        "w13_weight": w13_weight,
        "w2_weight": w2_weight,
    }


def reference(hidden_states, gate_weight, w13_weight, w2_weight):
    # single-rank (EP world size 1) emulation: all-to-all is identity,
    # all-reduce(max) of capacity is identity.
    n_experts = gate_weight.shape[0]
    i_dim = w2_weight.shape[2]

    # ReplicatedLinear gate (no bias)
    router_logits = hidden_states @ gate_weight.T

    # fused_topk with renormalize=True
    routing = jax.nn.softmax(router_logits.astype(jnp.float32), axis=-1)
    topk_weights, topk_ids = jax.lax.top_k(routing, TOPK)
    topk_weights = topk_weights / jnp.sum(topk_weights, axis=-1, keepdims=True)

    # deepspeed-style capacity-based dispatch (top-2)
    mask1 = jax.nn.one_hot(topk_ids[:, 0], n_experts, dtype=jnp.int32)
    mask2 = jax.nn.one_hot(topk_ids[:, 1], n_experts, dtype=jnp.int32)
    locations1 = jnp.cumsum(mask1, axis=0) - 1
    locations2 = jnp.cumsum(mask2, axis=0) - 1
    locations2 = locations2 + jnp.sum(mask1, axis=0, keepdims=True)
    exp_counts = jnp.sum(mask1 + mask2, axis=0)
    capacity = hidden_states.shape[0]

    locations1_s = jnp.sum(locations1 * mask1, axis=1)
    locations2_s = jnp.sum(locations2 * mask2, axis=1)

    gates1_se = topk_weights[:, 0:1] * mask1.astype(jnp.float32)
    gates2_se = topk_weights[:, 1:2] * mask2.astype(jnp.float32)
    locations1_sc = jax.nn.one_hot(locations1_s, capacity, dtype=jnp.float32)
    locations2_sc = jax.nn.one_hot(locations2_s, capacity, dtype=jnp.float32)

    combine1_sec = jnp.einsum('se,sc->sec', gates1_se, locations1_sc)
    combine2_sec = jnp.einsum('se,sc->sec', gates2_se, locations2_sc)
    combine_weights = combine1_sec + combine2_sec
    dispatch_mask = (combine_weights > 0).astype(hidden_states.dtype)

    # dispatch: sec,sm->ecm ; all_to_all == identity on single rank
    dispatched_input = jnp.einsum('sec,sm->ecm', dispatch_mask, hidden_states)

    # local experts: SwiGLU FFN per expert (w13 packs [w1; w3] along output dim)
    gate_up = jnp.einsum('ecm,eim->eci', dispatched_input, w13_weight)
    g = gate_up[..., :i_dim]
    u = gate_up[..., i_dim:]
    act = jax.nn.silu(g) * u
    expert_out = jnp.einsum('eci,emi->ecm', act, w2_weight)

    # combine back: sec,ecm->sm
    out = jnp.einsum('sec,ecm->sm', combine_weights, expert_out)
    return out

if __name__ == "__main__":
    import jax
    _d = setup_inputs()
    print(jax.jit(kernel)(*tuple(_d.values())))

</pallas_src>

<mosaic_0001>
#map = affine_map<(d0, d1) -> (0, 0)>
#map1 = affine_map<(d0, d1) -> (0)>
module attributes {stable_mosaic.version = 14 : i64} {
  func.func @gather_back(%arg0: i32, %arg1: i32, %arg2: memref<5120x1024xf32, #tpu.memory_space<hbm>>, %arg3: memref<2048xi32, #tpu.memory_space<hbm>>, %arg4: memref<2048xi32, #tpu.memory_space<hbm>>, %arg5: memref<4096x1024xf32, #tpu.memory_space<hbm>>, %arg6: memref<64xi32, #tpu.memory_space<vmem>>, %arg7: memref<64x1024xf32, #tpu.memory_space<vmem>>, %arg8: memref<!tpu.dma_semaphore, #tpu.memory_space<semaphore_mem>>) attributes {dimension_semantics = [#tpu.dimension_semantics<core_parallel>, #tpu.dimension_semantics<subcore_parallel>], iteration_bounds = array<i64: 2, 16>, scalar_prefetch = 0 : i64, scratch_operands = 3 : i64, tpu.core_type = #tpu.core_type<sc_vector_subcore>, window_params = [{transform_indices = #map}, {transform_indices = #map1}, {transform_indices = #map1}, {transform_indices = #map}]} {
    %mul3A = arith.constant 2 : i32
    %mul3A_0 = arith.muli %arg1, %mul3A : i32
    %add3A = arith.addi %mul3A_0, %arg0 : i32
    %mul3A_1 = arith.constant 64 : i32
    %mul3A_2 = arith.muli %add3A, %mul3A_1 : i32
    "tpu.region"() ({
      %run_scoped3A = tpu.sem_alloc : memref<!tpu.dma_semaphore, #tpu.memory_space<semaphore_mem>>
      %dma_start3A_15 = tpu.memref_slice %arg3[%mul3A_2] : memref<2048xi32, #tpu.memory_space<hbm>> -> memref<64xi32, #tpu.memory_space<hbm>>
      %dma_start3A_16 = tpu.memref_slice %arg3[%mul3A_2] : memref<2048xi32, #tpu.memory_space<hbm>> -> memref<64xi32, #tpu.memory_space<hbm>>
      tpu.enqueue_dma source(%dma_start3A_16 : memref<64xi32, #tpu.memory_space<hbm>>) target(%arg6 : memref<64xi32, #tpu.memory_space<vmem>>) target_semaphore(%run_scoped3A : memref<!tpu.dma_semaphore, #tpu.memory_space<semaphore_mem>>)
      %dma_wait3A_17 = tpu.memref_slice %arg3[%mul3A_2] : memref<2048xi32, #tpu.memory_space<hbm>> -> memref<64xi32, #tpu.memory_space<hbm>>
      %dma_wait3A_18 = tpu.memref_slice %arg3[%mul3A_2] : memref<2048xi32, #tpu.memory_space<hbm>> -> memref<64xi32, #tpu.memory_space<hbm>>
      tpu.wait_dma2 semaphore(%run_scoped3A : memref<!tpu.dma_semaphore, #tpu.memory_space<semaphore_mem>>) src(%dma_wait3A_18 : memref<64xi32, #tpu.memory_space<hbm>>) dst(%arg6 : memref<64xi32, #tpu.memory_space<vmem>>)
      tpu.yield
    }) : () -> ()
    %dma_start3A = arith.constant 0 : i32
    %dma_start3A_3 = arith.constant 0 : i32
    %dma_start3A_4 = tpu.memref_slice %arg2[%dma_start3A, %dma_start3A_3] : memref<5120x1024xf32, #tpu.memory_space<hbm>> -> memref<5120x1024xf32, #tpu.memory_space<hbm>>
    tpu.enqueue_indirect_dma source(%dma_start3A_4 : memref<5120x1024xf32, #tpu.memory_space<hbm>>) target(%arg7 : memref<64x1024xf32, #tpu.memory_space<vmem>>) offsets(%arg6 : memref<64xi32, #tpu.memory_space<vmem>>) semaphore(%arg8 : memref<!tpu.dma_semaphore, #tpu.memory_space<semaphore_mem>>)
    %dma_wait3A = arith.constant 0 : i32
    %dma_wait3A_5 = arith.constant 0 : i32
    %dma_wait3A_6 = tpu.memref_slice %arg2[%dma_wait3A, %dma_wait3A_5] : memref<5120x1024xf32, #tpu.memory_space<hbm>> -> memref<5120x1024xf32, #tpu.memory_space<hbm>>
    tpu.wait_indirect_dma semaphore(%arg8 : memref<!tpu.dma_semaphore, #tpu.memory_space<semaphore_mem>>) src(%dma_wait3A_6 : memref<5120x1024xf32, #tpu.memory_space<hbm>>) dst(%arg7 : memref<64x1024xf32, #tpu.memory_space<vmem>>)
    "tpu.region"() ({
      %run_scoped3A = tpu.sem_alloc : memref<!tpu.dma_semaphore, #tpu.memory_space<semaphore_mem>>
      %dma_start3A_15 = arith.constant 0 : i32
      %dma_start3A_16 = tpu.memref_slice %arg5[%mul3A_2, %dma_start3A_15] : memref<4096x1024xf32, #tpu.memory_space<hbm>> -> memref<64x1024xf32, #tpu.memory_space<hbm>>
      %dma_start3A_17 = arith.constant 0 : i32
      %dma_start3A_18 = tpu.memref_slice %arg5[%mul3A_2, %dma_start3A_17] : memref<4096x1024xf32, #tpu.memory_space<hbm>> -> memref<64x1024xf32, #tpu.memory_space<hbm>>
      tpu.enqueue_dma source(%arg7 : memref<64x1024xf32, #tpu.memory_space<vmem>>) target(%dma_start3A_18 : memref<64x1024xf32, #tpu.memory_space<hbm>>) target_semaphore(%run_scoped3A : memref<!tpu.dma_semaphore, #tpu.memory_space<semaphore_mem>>)
      %dma_wait3A_19 = arith.constant 0 : i32
      %dma_wait3A_20 = tpu.memref_slice %arg5[%mul3A_2, %dma_wait3A_19] : memref<4096x1024xf32, #tpu.memory_space<hbm>> -> memref<64x1024xf32, #tpu.memory_space<hbm>>
      %dma_wait3A_21 = arith.constant 0 : i32
      %dma_wait3A_22 = tpu.memref_slice %arg5[%mul3A_2, %dma_wait3A_21] : memref<4096x1024xf32, #tpu.memory_space<hbm>> -> memref<64x1024xf32, #tpu.memory_space<hbm>>
      tpu.wait_dma2 semaphore(%run_scoped3A : memref<!tpu.dma_semaphore, #tpu.memory_space<semaphore_mem>>) src(%arg7 : memref<64x1024xf32, #tpu.memory_space<vmem>>) dst(%dma_wait3A_22 : memref<64x1024xf32, #tpu.memory_space<hbm>>)
      tpu.yield
    }) : () -> ()
    "tpu.region"() ({
      %run_scoped3A = tpu.sem_alloc : memref<!tpu.dma_semaphore, #tpu.memory_space<semaphore_mem>>
      %dma_start3A_15 = tpu.memref_slice %arg4[%mul3A_2] : memref<2048xi32, #tpu.memory_space<hbm>> -> memref<64xi32, #tpu.memory_space<hbm>>
      %dma_start3A_16 = tpu.memref_slice %arg4[%mul3A_2] : memref<2048xi32, #tpu.memory_space<hbm>> -> memref<64xi32, #tpu.memory_space<hbm>>
      tpu.enqueue_dma source(%dma_start3A_16 : memref<64xi32, #tpu.memory_space<hbm>>) target(%arg6 : memref<64xi32, #tpu.memory_space<vmem>>) target_semaphore(%run_scoped3A : memref<!tpu.dma_semaphore, #tpu.memory_space<semaphore_mem>>)
      %dma_wait3A_17 = tpu.memref_slice %arg4[%mul3A_2] : memref<2048xi32, #tpu.memory_space<hbm>> -> memref<64xi32, #tpu.memory_space<hbm>>
      %dma_wait3A_18 = tpu.memref_slice %arg4[%mul3A_2] : memref<2048xi32, #tpu.memory_space<hbm>> -> memref<64xi32, #tpu.memory_space<hbm>>
      tpu.wait_dma2 semaphore(%run_scoped3A : memref<!tpu.dma_semaphore, #tpu.memory_space<semaphore_mem>>) src(%dma_wait3A_18 : memref<64xi32, #tpu.memory_space<hbm>>) dst(%arg6 : memref<64xi32, #tpu.memory_space<vmem>>)
      tpu.yield
    }) : () -> ()
    %dma_start3A_7 = arith.constant 0 : i32
    %dma_start3A_8 = arith.constant 0 : i32
    %dma_start3A_9 = tpu.memref_slice %arg2[%dma_start3A_7, %dma_start3A_8] : memref<5120x1024xf32, #tpu.memory_space<hbm>> -> memref<5120x1024xf32, #tpu.memory_space<hbm>>
    tpu.enqueue_indirect_dma source(%dma_start3A_9 : memref<5120x1024xf32, #tpu.memory_space<hbm>>) target(%arg7 : memref<64x1024xf32, #tpu.memory_space<vmem>>) offsets(%arg6 : memref<64xi32, #tpu.memory_space<vmem>>) semaphore(%arg8 : memref<!tpu.dma_semaphore, #tpu.memory_space<semaphore_mem>>)
    %dma_wait3A_10 = arith.constant 0 : i32
    %dma_wait3A_11 = arith.constant 0 : i32
    %dma_wait3A_12 = tpu.memref_slice %arg2[%dma_wait3A_10, %dma_wait3A_11] : memref<5120x1024xf32, #tpu.memory_space<hbm>> -> memref<5120x1024xf32, #tpu.memory_space<hbm>>
    tpu.wait_indirect_dma semaphore(%arg8 : memref<!tpu.dma_semaphore, #tpu.memory_space<semaphore_mem>>) src(%dma_wait3A_12 : memref<5120x1024xf32, #tpu.memory_space<hbm>>) dst(%arg7 : memref<64x1024xf32, #tpu.memory_space<vmem>>)
    %add3A_13 = arith.constant 2048 : i32
    %add3A_14 = arith.addi %add3A_13, %mul3A_2 : i32
    "tpu.region"() ({
      %run_scoped3A = tpu.sem_alloc : memref<!tpu.dma_semaphore, #tpu.memory_space<semaphore_mem>>
      %dma_start3A_15 = arith.constant 0 : i32
      %dma_start3A_16 = tpu.memref_slice %arg5[%add3A_14, %dma_start3A_15] : memref<4096x1024xf32, #tpu.memory_space<hbm>> -> memref<64x1024xf32, #tpu.memory_space<hbm>>
      %dma_start3A_17 = arith.constant 0 : i32
      %dma_start3A_18 = tpu.memref_slice %arg5[%add3A_14, %dma_start3A_17] : memref<4096x1024xf32, #tpu.memory_space<hbm>> -> memref<64x1024xf32, #tpu.memory_space<hbm>>
      tpu.enqueue_dma source(%arg7 : memref<64x1024xf32, #tpu.memory_space<vmem>>) target(%dma_start3A_18 : memref<64x1024xf32, #tpu.memory_space<hbm>>) target_semaphore(%run_scoped3A : memref<!tpu.dma_semaphore, #tpu.memory_space<semaphore_mem>>)
      %dma_wait3A_19 = arith.constant 0 : i32
      %dma_wait3A_20 = tpu.memref_slice %arg5[%add3A_14, %dma_wait3A_19] : memref<4096x1024xf32, #tpu.memory_space<hbm>> -> memref<64x1024xf32, #tpu.memory_space<hbm>>
      %dma_wait3A_21 = arith.constant 0 : i32
      %dma_wait3A_22 = tpu.memref_slice %arg5[%add3A_14, %dma_wait3A_21] : memref<4096x1024xf32, #tpu.memory_space<hbm>> -> memref<64x1024xf32, #tpu.memory_space<hbm>>
      tpu.wait_dma2 semaphore(%run_scoped3A : memref<!tpu.dma_semaphore, #tpu.memory_space<semaphore_mem>>) src(%arg7 : memref<64x1024xf32, #tpu.memory_space<vmem>>) dst(%dma_wait3A_22 : memref<64x1024xf32, #tpu.memory_space<hbm>>)
      tpu.yield
    }) : () -> ()
    return
  }
}

#map = affine_map<(d0, d1) -> (0, 0)>
#map1 = affine_map<(d0, d1) -> (0)>
module attributes {stable_mosaic.version = 14 : i64} {
  func.func @dispatch(%arg0: i32, %arg1: i32, %arg2: memref<2048x1024xf32, #tpu.memory_space<hbm>>, %arg3: memref<2048xi32, #tpu.memory_space<hbm>>, %arg4: memref<2048xi32, #tpu.memory_space<hbm>>, %arg5: memref<5120x1024xf32, #tpu.memory_space<hbm>>, %arg6: memref<64xi32, #tpu.memory_space<vmem>>, %arg7: memref<64xi32, #tpu.memory_space<vmem>>, %arg8: memref<64x1024xf32, #tpu.memory_space<vmem>>, %arg9: memref<!tpu.dma_semaphore, #tpu.memory_space<semaphore_mem>>) attributes {dimension_semantics = [#tpu.dimension_semantics<core_parallel>, #tpu.dimension_semantics<subcore_parallel>], iteration_bounds = array<i64: 2, 16>, scalar_prefetch = 0 : i64, scratch_operands = 4 : i64, tpu.core_type = #tpu.core_type<sc_vector_subcore>, window_params = [{transform_indices = #map}, {transform_indices = #map1}, {transform_indices = #map1}, {transform_indices = #map}]} {
    %mul3A = arith.constant 2 : i32
    %mul3A_0 = arith.muli %arg1, %mul3A : i32
    %add3A = arith.addi %mul3A_0, %arg0 : i32
    %mul3A_1 = arith.constant 64 : i32
    %mul3A_2 = arith.muli %add3A, %mul3A_1 : i32
    "tpu.region"() ({
      %run_scoped3A = tpu.sem_alloc : memref<!tpu.dma_semaphore, #tpu.memory_space<semaphore_mem>>
      %dma_start3A_13 = arith.constant 0 : i32
      %dma_start3A_14 = tpu.memref_slice %arg2[%mul3A_2, %dma_start3A_13] : memref<2048x1024xf32, #tpu.memory_space<hbm>> -> memref<64x1024xf32, #tpu.memory_space<hbm>>
      %dma_start3A_15 = arith.constant 0 : i32
      %dma_start3A_16 = tpu.memref_slice %arg2[%mul3A_2, %dma_start3A_15] : memref<2048x1024xf32, #tpu.memory_space<hbm>> -> memref<64x1024xf32, #tpu.memory_space<hbm>>
      tpu.enqueue_dma source(%dma_start3A_16 : memref<64x1024xf32, #tpu.memory_space<hbm>>) target(%arg8 : memref<64x1024xf32, #tpu.memory_space<vmem>>) target_semaphore(%run_scoped3A : memref<!tpu.dma_semaphore, #tpu.memory_space<semaphore_mem>>)
      %dma_wait3A_17 = arith.constant 0 : i32
      %dma_wait3A_18 = tpu.memref_slice %arg2[%mul3A_2, %dma_wait3A_17] : memref<2048x1024xf32, #tpu.memory_space<hbm>> -> memref<64x1024xf32, #tpu.memory_space<hbm>>
      %dma_wait3A_19 = arith.constant 0 : i32
      %dma_wait3A_20 = tpu.memref_slice %arg2[%mul3A_2, %dma_wait3A_19] : memref<2048x1024xf32, #tpu.memory_space<hbm>> -> memref<64x1024xf32, #tpu.memory_space<hbm>>
      tpu.wait_dma2 semaphore(%run_scoped3A : memref<!tpu.dma_semaphore, #tpu.memory_space<semaphore_mem>>) src(%dma_wait3A_20 : memref<64x1024xf32, #tpu.memory_space<hbm>>) dst(%arg8 : memref<64x1024xf32, #tpu.memory_space<vmem>>)
      tpu.yield
    }) : () -> ()
    "tpu.region"() ({
      %run_scoped3A = tpu.sem_alloc : memref<!tpu.dma_semaphore, #tpu.memory_space<semaphore_mem>>
      %dma_start3A_13 = tpu.memref_slice %arg3[%mul3A_2] : memref<2048xi32, #tpu.memory_space<hbm>> -> memref<64xi32, #tpu.memory_space<hbm>>
      %dma_start3A_14 = tpu.memref_slice %arg3[%mul3A_2] : memref<2048xi32, #tpu.memory_space<hbm>> -> memref<64xi32, #tpu.memory_space<hbm>>
      tpu.enqueue_dma source(%dma_start3A_14 : memref<64xi32, #tpu.memory_space<hbm>>) target(%arg6 : memref<64xi32, #tpu.memory_space<vmem>>) target_semaphore(%run_scoped3A : memref<!tpu.dma_semaphore, #tpu.memory_space<semaphore_mem>>)
      %dma_wait3A_15 = tpu.memref_slice %arg3[%mul3A_2] : memref<2048xi32, #tpu.memory_space<hbm>> -> memref<64xi32, #tpu.memory_space<hbm>>
      %dma_wait3A_16 = tpu.memref_slice %arg3[%mul3A_2] : memref<2048xi32, #tpu.memory_space<hbm>> -> memref<64xi32, #tpu.memory_space<hbm>>
      tpu.wait_dma2 semaphore(%run_scoped3A : memref<!tpu.dma_semaphore, #tpu.memory_space<semaphore_mem>>) src(%dma_wait3A_16 : memref<64xi32, #tpu.memory_space<hbm>>) dst(%arg6 : memref<64xi32, #tpu.memory_space<vmem>>)
      tpu.yield
    }) : () -> ()
    "tpu.region"() ({
      %run_scoped3A = tpu.sem_alloc : memref<!tpu.dma_semaphore, #tpu.memory_space<semaphore_mem>>
      %dma_start3A_13 = tpu.memref_slice %arg4[%mul3A_2] : memref<2048xi32, #tpu.memory_space<hbm>> -> memref<64xi32, #tpu.memory_space<hbm>>
      %dma_start3A_14 = tpu.memref_slice %arg4[%mul3A_2] : memref<2048xi32, #tpu.memory_space<hbm>> -> memref<64xi32, #tpu.memory_space<hbm>>
      tpu.enqueue_dma source(%dma_start3A_14 : memref<64xi32, #tpu.memory_space<hbm>>) target(%arg7 : memref<64xi32, #tpu.memory_space<vmem>>) target_semaphore(%run_scoped3A : memref<!tpu.dma_semaphore, #tpu.memory_space<semaphore_mem>>)
      %dma_wait3A_15 = tpu.memref_slice %arg4[%mul3A_2] : memref<2048xi32, #tpu.memory_space<hbm>> -> memref<64xi32, #tpu.memory_space<hbm>>
      %dma_wait3A_16 = tpu.memref_slice %arg4[%mul3A_2] : memref<2048xi32, #tpu.memory_space<hbm>> -> memref<64xi32, #tpu.memory_space<hbm>>
      tpu.wait_dma2 semaphore(%run_scoped3A : memref<!tpu.dma_semaphore, #tpu.memory_space<semaphore_mem>>) src(%dma_wait3A_16 : memref<64xi32, #tpu.memory_space<hbm>>) dst(%arg7 : memref<64xi32, #tpu.memory_space<vmem>>)
      tpu.yield
    }) : () -> ()
    %dma_start3A = arith.constant 0 : i32
    %dma_start3A_3 = arith.constant 0 : i32
    %dma_start3A_4 = tpu.memref_slice %arg5[%dma_start3A, %dma_start3A_3] : memref<5120x1024xf32, #tpu.memory_space<hbm>> -> memref<5120x1024xf32, #tpu.memory_space<hbm>>
    tpu.enqueue_indirect_dma source(%arg8 : memref<64x1024xf32, #tpu.memory_space<vmem>>) target(%dma_start3A_4 : memref<5120x1024xf32, #tpu.memory_space<hbm>>) offsets(%arg6 : memref<64xi32, #tpu.memory_space<vmem>>) semaphore(%arg9 : memref<!tpu.dma_semaphore, #tpu.memory_space<semaphore_mem>>)
    %dma_wait3A = arith.constant 0 : i32
    %dma_wait3A_5 = arith.constant 0 : i32
    %dma_wait3A_6 = tpu.memref_slice %arg5[%dma_wait3A, %dma_wait3A_5] : memref<5120x1024xf32, #tpu.memory_space<hbm>> -> memref<5120x1024xf32, #tpu.memory_space<hbm>>
    tpu.wait_indirect_dma semaphore(%arg9 : memref<!tpu.dma_semaphore, #tpu.memory_space<semaphore_mem>>) src(%arg8 : memref<64x1024xf32, #tpu.memory_space<vmem>>) dst(%dma_wait3A_6 : memref<5120x1024xf32, #tpu.memory_space<hbm>>)
    %dma_start3A_7 = arith.constant 0 : i32
    %dma_start3A_8 = arith.constant 0 : i32
    %dma_start3A_9 = tpu.memref_slice %arg5[%dma_start3A_7, %dma_start3A_8] : memref<5120x1024xf32, #tpu.memory_space<hbm>> -> memref<5120x1024xf32, #tpu.memory_space<hbm>>
    tpu.enqueue_indirect_dma source(%arg8 : memref<64x1024xf32, #tpu.memory_space<vmem>>) target(%dma_start3A_9 : memref<5120x1024xf32, #tpu.memory_space<hbm>>) offsets(%arg7 : memref<64xi32, #tpu.memory_space<vmem>>) semaphore(%arg9 : memref<!tpu.dma_semaphore, #tpu.memory_space<semaphore_mem>>)
    %dma_wait3A_10 = arith.constant 0 : i32
    %dma_wait3A_11 = arith.constant 0 : i32
    %dma_wait3A_12 = tpu.memref_slice %arg5[%dma_wait3A_10, %dma_wait3A_11] : memref<5120x1024xf32, #tpu.memory_space<hbm>> -> memref<5120x1024xf32, #tpu.memory_space<hbm>>
    tpu.wait_indirect_dma semaphore(%arg9 : memref<!tpu.dma_semaphore, #tpu.memory_space<semaphore_mem>>) src(%arg8 : memref<64x1024xf32, #tpu.memory_space<vmem>>) dst(%dma_wait3A_12 : memref<5120x1024xf32, #tpu.memory_space<hbm>>)
    return
  }
}

module attributes {stable_mosaic.version = 14 : i64} {
  func.func @_ffn_body(%arg0: i32, %arg1: memref<40xi32, #tpu.memory_space<smem>>, %arg2: memref<40xi32, #tpu.memory_space<smem>>, %arg3: memref<40xi32, #tpu.memory_space<smem>>, %arg4: memref<40xi32, #tpu.memory_space<smem>>, %arg5: memref<40xi32, #tpu.memory_space<smem>>, %arg6: memref<128x1024xf32, #tpu.memory_space<vmem>>, %arg7: memref<8x4096x1024xf32, #tpu.memory_space<any>>, %arg8: memref<8x1024x2048xf32, #tpu.memory_space<any>>, %arg9: memref<128x1024xf32, #tpu.memory_space<vmem>>, %arg10: memref<2x4096x1024xf32, #tpu.memory_space<vmem>>, %arg11: memref<2x1024x2048xf32, #tpu.memory_space<vmem>>, %arg12: memref<2x!tpu.dma_semaphore, #tpu.memory_space<semaphore_mem>>, %arg13: memref<2x!tpu.dma_semaphore, #tpu.memory_space<semaphore_mem>>) attributes {dimension_semantics = [#tpu.dimension_semantics<arbitrary>], iteration_bounds = array<i64: 40>, scalar_prefetch = 5 : i64, scratch_operands = 4 : i64, tpu.core_type = #tpu.core_type<tc>, window_params = [{transform_indices = @transform_0, window_bounds = array<i64: 128, 1024>}, {}, {}, {transform_indices = @transform_3, window_bounds = array<i64: 128, 1024>}]} {
    %get3A = arith.index_cast %arg0 : i32 to index
    %get3A_0 = memref.load %arg2[%get3A] : memref<40xi32, #tpu.memory_space<smem>>
    %get3A_1 = arith.index_cast %arg0 : i32 to index
    %get3A_2 = memref.load %arg3[%get3A_1] : memref<40xi32, #tpu.memory_space<smem>>
    %eq3A = arith.constant 0 : i32
    %eq3A_3 = arith.cmpi eq, %arg0, %eq3A : i32
    %convert_element_type3A = arith.extui %eq3A_3 : i1 to i32
    %cond3A = arith.constant 0 : i32
    %cond3A_4 = arith.cmpi ne, %convert_element_type3A, %cond3A : i32
    scf.if %cond3A_4 {
      %get3A_48 = arith.constant 0 : index
      %get3A_49 = memref.load %arg1[%get3A_48] : memref<40xi32, #tpu.memory_space<smem>>
      %dma_start3A = arith.constant 0 : i32
      %dma_start3A_50 = arith.constant 0 : i32
      %dma_start3A_51 = tpu.memref_slice %arg12[%dma_start3A_50] : memref<2x!tpu.dma_semaphore, #tpu.memory_space<semaphore_mem>> -> memref<1x!tpu.dma_semaphore, #tpu.memory_space<semaphore_mem>>
      %dma_start3A_52 = tpu.memref_squeeze %dma_start3A_51 : memref<1x!tpu.dma_semaphore, #tpu.memory_space<semaphore_mem>> -> memref<!tpu.dma_semaphore, #tpu.memory_space<semaphore_mem>>
      %dma_start3A_53 = arith.constant 0 : i32
      %dma_start3A_54 = arith.constant 0 : i32
      %dma_start3A_55 = tpu.memref_slice %arg10[%dma_start3A, %dma_start3A_53, %dma_start3A_54] : memref<2x4096x1024xf32, #tpu.memory_space<vmem>> -> memref<1x4096x1024xf32, #tpu.memory_space<vmem>>
      %dma_start3A_56 = tpu.memref_squeeze %dma_start3A_55 : memref<1x4096x1024xf32, #tpu.memory_space<vmem>> -> memref<4096x1024xf32, #tpu.memory_space<vmem>>
      %dma_start3A_57 = arith.constant 0 : i32
      %dma_start3A_58 = arith.constant 0 : i32
      %dma_start3A_59 = tpu.memref_slice %arg7[%get3A_49, %dma_start3A_57, %dma_start3A_58] : memref<8x4096x1024xf32, #tpu.memory_space<any>> -> memref<1x4096x1024xf32, #tpu.memory_space<any>>
      %dma_start3A_60 = tpu.memref_squeeze %dma_start3A_59 : memref<1x4096x1024xf32, #tpu.memory_space<any>> -> memref<4096x1024xf32, #tpu.memory_space<any>>
      tpu.enqueue_dma source(%dma_start3A_60 : memref<4096x1024xf32, #tpu.memory_space<any>>) target(%dma_start3A_56 : memref<4096x1024xf32, #tpu.memory_space<vmem>>) target_semaphore(%dma_start3A_52 : memref<!tpu.dma_semaphore, #tpu.memory_space<semaphore_mem>>)
      %dma_start3A_61 = arith.constant 0 : i32
      %dma_start3A_62 = arith.constant 0 : i32
      %dma_start3A_63 = tpu.memref_slice %arg13[%dma_start3A_62] : memref<2x!tpu.dma_semaphore, #tpu.memory_space<semaphore_mem>> -> memref<1x!tpu.dma_semaphore, #tpu.memory_space<semaphore_mem>>
      %dma_start3A_64 = tpu.memref_squeeze %dma_start3A_63 : memref<1x!tpu.dma_semaphore, #tpu.memory_space<semaphore_mem>> -> memref<!tpu.dma_semaphore, #tpu.memory_space<semaphore_mem>>
      %dma_start3A_65 = arith.constant 0 : i32
      %dma_start3A_66 = arith.constant 0 : i32
      %dma_start3A_67 = tpu.memref_slice %arg11[%dma_start3A_61, %dma_start3A_65, %dma_start3A_66] : memref<2x1024x2048xf32, #tpu.memory_space<vmem>> -> memref<1x1024x2048xf32, #tpu.memory_space<vmem>>
      %dma_start3A_68 = tpu.memref_squeeze %dma_start3A_67 : memref<1x1024x2048xf32, #tpu.memory_space<vmem>> -> memref<1024x2048xf32, #tpu.memory_space<vmem>>
      %dma_start3A_69 = arith.constant 0 : i32
      %dma_start3A_70 = arith.constant 0 : i32
      %dma_start3A_71 = tpu.memref_slice %arg8[%get3A_49, %dma_start3A_69, %dma_start3A_70] : memref<8x1024x2048xf32, #tpu.memory_space<any>> -> memref<1x1024x2048xf32, #tpu.memory_space<any>>
      %dma_start3A_72 = tpu.memref_squeeze %dma_start3A_71 : memref<1x1024x2048xf32, #tpu.memory_space<any>> -> memref<1024x2048xf32, #tpu.memory_space<any>>
      tpu.enqueue_dma source(%dma_start3A_72 : memref<1024x2048xf32, #tpu.memory_space<any>>) target(%dma_start3A_68 : memref<1024x2048xf32, #tpu.memory_space<vmem>>) target_semaphore(%dma_start3A_64 : memref<!tpu.dma_semaphore, #tpu.memory_space<semaphore_mem>>)
    } else {
    }
    %eq3A_5 = arith.constant 1 : i32
    %eq3A_6 = arith.cmpi eq, %get3A_0, %eq3A_5 : i32
    %get3A_7 = arith.index_cast %arg0 : i32 to index
    %get3A_8 = memref.load %arg5[%get3A_7] : memref<40xi32, #tpu.memory_space<smem>>
    %eq3A_9 = arith.constant 1 : i32
    %eq3A_10 = arith.cmpi eq, %get3A_8, %eq3A_9 : i32
    %and3A = arith.andi %eq3A_6, %eq3A_10 : i1
    %convert_element_type3A_11 = arith.extui %and3A : i1 to i32
    %cond3A_12 = arith.constant 0 : i32
    %cond3A_13 = arith.cmpi ne, %convert_element_type3A_11, %cond3A_12 : i32
    scf.if %cond3A_13 {
      %get3A_48 = arith.index_cast %arg0 : i32 to index
      %get3A_49 = memref.load %arg4[%get3A_48] : memref<40xi32, #tpu.memory_space<smem>>
      %sub3A = arith.constant 1 : i32
      %sub3A_50 = arith.subi %sub3A, %get3A_2 : i32
      %dma_start3A = tpu.memref_slice %arg12[%sub3A_50] : memref<2x!tpu.dma_semaphore, #tpu.memory_space<semaphore_mem>> -> memref<1x!tpu.dma_semaphore, #tpu.memory_space<semaphore_mem>>
      %dma_start3A_51 = tpu.memref_squeeze %dma_start3A : memref<1x!tpu.dma_semaphore, #tpu.memory_space<semaphore_mem>> -> memref<!tpu.dma_semaphore, #tpu.memory_space<semaphore_mem>>
      %dma_start3A_52 = arith.constant 0 : i32
      %dma_start3A_53 = arith.constant 0 : i32
      %dma_start3A_54 = tpu.memref_slice %arg10[%sub3A_50, %dma_start3A_52, %dma_start3A_53] : memref<2x4096x1024xf32, #tpu.memory_space<vmem>> -> memref<1x4096x1024xf32, #tpu.memory_space<vmem>>
      %dma_start3A_55 = tpu.memref_squeeze %dma_start3A_54 : memref<1x4096x1024xf32, #tpu.memory_space<vmem>> -> memref<4096x1024xf32, #tpu.memory_space<vmem>>
      %dma_start3A_56 = arith.constant 0 : i32
      %dma_start3A_57 = arith.constant 0 : i32
      %dma_start3A_58 = tpu.memref_slice %arg7[%get3A_49, %dma_start3A_56, %dma_start3A_57] : memref<8x4096x1024xf32, #tpu.memory_space<any>> -> memref<1x4096x1024xf32, #tpu.memory_space<any>>
      %dma_start3A_59 = tpu.memref_squeeze %dma_start3A_58 : memref<1x4096x1024xf32, #tpu.memory_space<any>> -> memref<4096x1024xf32, #tpu.memory_space<any>>
      tpu.enqueue_dma source(%dma_start3A_59 : memref<4096x1024xf32, #tpu.memory_space<any>>) target(%dma_start3A_55 : memref<4096x1024xf32, #tpu.memory_space<vmem>>) target_semaphore(%dma_start3A_51 : memref<!tpu.dma_semaphore, #tpu.memory_space<semaphore_mem>>)
      %dma_start3A_60 = tpu.memref_slice %arg13[%sub3A_50] : memref<2x!tpu.dma_semaphore, #tpu.memory_space<semaphore_mem>> -> memref<1x!tpu.dma_semaphore, #tpu.memory_space<semaphore_mem>>
      %dma_start3A_61 = tpu.memref_squeeze %dma_start3A_60 : memref<1x!tpu.dma_semaphore, #tpu.memory_space<semaphore_mem>> -> memref<!tpu.dma_semaphore, #tpu.memory_space<semaphore_mem>>
      %dma_start3A_62 = arith.constant 0 : i32
      %dma_start3A_63 = arith.constant 0 : i32
      %dma_start3A_64 = tpu.memref_slice %arg11[%sub3A_50, %dma_start3A_62, %dma_start3A_63] : memref<2x1024x2048xf32, #tpu.memory_space<vmem>> -> memref<1x1024x2048xf32, #tpu.memory_space<vmem>>
      %dma_start3A_65 = tpu.memref_squeeze %dma_start3A_64 : memref<1x1024x2048xf32, #tpu.memory_space<vmem>> -> memref<1024x2048xf32, #tpu.memory_space<vmem>>
      %dma_start3A_66 = arith.constant 0 : i32
      %dma_start3A_67 = arith.constant 0 : i32
      %dma_start3A_68 = tpu.memref_slice %arg8[%get3A_49, %dma_start3A_66, %dma_start3A_67] : memref<8x1024x2048xf32, #tpu.memory_space<any>> -> memref<1x1024x2048xf32, #tpu.memory_space<any>>
      %dma_start3A_69 = tpu.memref_squeeze %dma_start3A_68 : memref<1x1024x2048xf32, #tpu.memory_space<any>> -> memref<1024x2048xf32, #tpu.memory_space<any>>
      tpu.enqueue_dma source(%dma_start3A_69 : memref<1024x2048xf32, #tpu.memory_space<any>>) target(%dma_start3A_65 : memref<1024x2048xf32, #tpu.memory_space<vmem>>) target_semaphore(%dma_start3A_61 : memref<!tpu.dma_semaphore, #tpu.memory_space<semaphore_mem>>)
    } else {
    }
    %eq3A_14 = arith.constant 1 : i32
    %eq3A_15 = arith.cmpi eq, %get3A_0, %eq3A_14 : i32
    %convert_element_type3A_16 = arith.extui %eq3A_15 : i1 to i32
    %cond3A_17 = arith.constant 0 : i32
    %cond3A_18 = arith.cmpi ne, %convert_element_type3A_16, %cond3A_17 : i32
    scf.if %cond3A_18 {
      %get3A_48 = arith.index_cast %arg0 : i32 to index
      %get3A_49 = memref.load %arg1[%get3A_48] : memref<40xi32, #tpu.memory_space<smem>>
      %dma_wait3A = tpu.memref_slice %arg12[%get3A_2] : memref<2x!tpu.dma_semaphore, #tpu.memory_space<semaphore_mem>> -> memref<1x!tpu.dma_semaphore, #tpu.memory_space<semaphore_mem>>
      %dma_wait3A_50 = tpu.memref_squeeze %dma_wait3A : memref<1x!tpu.dma_semaphore, #tpu.memory_space<semaphore_mem>> -> memref<!tpu.dma_semaphore, #tpu.memory_space<semaphore_mem>>
      %dma_wait3A_51 = arith.constant 0 : i32
      %dma_wait3A_52 = arith.constant 0 : i32
      %dma_wait3A_53 = tpu.memref_slice %arg10[%get3A_2, %dma_wait3A_51, %dma_wait3A_52] : memref<2x4096x1024xf32, #tpu.memory_space<vmem>> -> memref<1x4096x1024xf32, #tpu.memory_space<vmem>>
      %dma_wait3A_54 = tpu.memref_squeeze %dma_wait3A_53 : memref<1x4096x1024xf32, #tpu.memory_space<vmem>> -> memref<4096x1024xf32, #tpu.memory_space<vmem>>
      %dma_wait3A_55 = arith.constant 0 : i32
      %dma_wait3A_56 = arith.constant 0 : i32
      %dma_wait3A_57 = tpu.memref_slice %arg7[%get3A_49, %dma_wait3A_55, %dma_wait3A_56] : memref<8x4096x1024xf32, #tpu.memory_space<any>> -> memref<1x4096x1024xf32, #tpu.memory_space<any>>
      %dma_wait3A_58 = tpu.memref_squeeze %dma_wait3A_57 : memref<1x4096x1024xf32, #tpu.memory_space<any>> -> memref<4096x1024xf32, #tpu.memory_space<any>>
      tpu.wait_dma2 semaphore(%dma_wait3A_50 : memref<!tpu.dma_semaphore, #tpu.memory_space<semaphore_mem>>) src(%dma_wait3A_58 : memref<4096x1024xf32, #tpu.memory_space<any>>) dst(%dma_wait3A_54 : memref<4096x1024xf32, #tpu.memory_space<vmem>>)
      %dma_wait3A_59 = tpu.memref_slice %arg13[%get3A_2] : memref<2x!tpu.dma_semaphore, #tpu.memory_space<semaphore_mem>> -> memref<1x!tpu.dma_semaphore, #tpu.memory_space<semaphore_mem>>
      %dma_wait3A_60 = tpu.memref_squeeze %dma_wait3A_59 : memref<1x!tpu.dma_semaphore, #tpu.memory_space<semaphore_mem>> -> memref<!tpu.dma_semaphore, #tpu.memory_space<semaphore_mem>>
      %dma_wait3A_61 = arith.constant 0 : i32
      %dma_wait3A_62 = arith.constant 0 : i32
      %dma_wait3A_63 = tpu.memref_slice %arg11[%get3A_2, %dma_wait3A_61, %dma_wait3A_62] : memref<2x1024x2048xf32, #tpu.memory_space<vmem>> -> memref<1x1024x2048xf32, #tpu.memory_space<vmem>>
      %dma_wait3A_64 = tpu.memref_squeeze %dma_wait3A_63 : memref<1x1024x2048xf32, #tpu.memory_space<vmem>> -> memref<1024x2048xf32, #tpu.memory_space<vmem>>
      %dma_wait3A_65 = arith.constant 0 : i32
      %dma_wait3A_66 = arith.constant 0 : i32
      %dma_wait3A_67 = tpu.memref_slice %arg8[%get3A_49, %dma_wait3A_65, %dma_wait3A_66] : memref<8x1024x2048xf32, #tpu.memory_space<any>> -> memref<1x1024x2048xf32, #tpu.memory_space<any>>
      %dma_wait3A_68 = tpu.memref_squeeze %dma_wait3A_67 : memref<1x1024x2048xf32, #tpu.memory_space<any>> -> memref<1024x2048xf32, #tpu.memory_space<any>>
      tpu.wait_dma2 semaphore(%dma_wait3A_60 : memref<!tpu.dma_semaphore, #tpu.memory_space<semaphore_mem>>) src(%dma_wait3A_68 : memref<1024x2048xf32, #tpu.memory_space<any>>) dst(%dma_wait3A_64 : memref<1024x2048xf32, #tpu.memory_space<vmem>>)
    } else {
    }
    %get3A_19 = arith.constant 0 : index
    %get3A_20 = arith.constant 0 : index
    %get3A_21 = vector.load %arg6[%get3A_19, %get3A_20] : memref<128x1024xf32, #tpu.memory_space<vmem>>, vector<128x1024xf32>
    %convert_element_type3A_22 = arith.truncf %get3A_21 : vector<128x1024xf32> to vector<128x1024xbf16>
    %get3A_23 = arith.index_cast %get3A_2 : i32 to index
    %get3A_24 = arith.constant 0 : index
    %get3A_25 = arith.constant 0 : index
    %get3A_26 = vector.load %arg10[%get3A_23, %get3A_24, %get3A_25] : memref<2x4096x1024xf32, #tpu.memory_space<vmem>>, vector<1x4096x1024xf32>
    %get3A_27 = vector.shape_cast %get3A_26 : vector<1x4096x1024xf32> to vector<4096x1024xf32>
    %convert_element_type3A_28 = arith.truncf %get3A_27 : vector<4096x1024xf32> to vector<4096x1024xbf16>
    %dot_general3A = arith.constant dense<0.000000e+00> : vector<128x4096xf32>
    %dot_general3A_29 = tpu.matmul %convert_element_type3A_22, %convert_element_type3A_28, %dot_general3A {dimension_numbers = #tpu.dot_dimension_numbers<[1], [1], [0], [0], [0, 0, 1, 0], [], []>, transpose_lhs_hint = false} : vector<128x1024xbf16>, vector<4096x1024xbf16>, vector<128x4096xf32> -> vector<128x4096xf32>
    %slice3A = vector.extract_strided_slice %dot_general3A_29 {offsets = [0, 0], sizes = [128, 2048], strides = [1, 1]} : vector<128x4096xf32> to vector<128x2048xf32>
    %slice3A_30 = vector.extract_strided_slice %dot_general3A_29 {offsets = [0, 2048], sizes = [128, 2048], strides = [1, 1]} : vector<128x4096xf32> to vector<128x2048xf32>
    %logistic3A = arith.negf %slice3A : vector<128x2048xf32>
    %logistic3A_31 = math.exp %logistic3A : vector<128x2048xf32>
    %logistic3A_32 = arith.constant 1.000000e+00 : f32
    %logistic3A_33 = vector.broadcast %logistic3A_32 : f32 to vector<128x2048xf32>
    %logistic3A_34 = arith.addf %logistic3A_33, %logistic3A_31 : vector<128x2048xf32>
    %logistic3A_35 = arith.divf %logistic3A_33, %logistic3A_34 : vector<128x2048xf32>
    %mul3A = arith.mulf %slice3A, %logistic3A_35 : vector<128x2048xf32>
    %mul3A_36 = arith.mulf %mul3A, %slice3A_30 : vector<128x2048xf32>
    %convert_element_type3A_37 = arith.truncf %mul3A_36 : vector<128x2048xf32> to vector<128x2048xbf16>
    %get3A_38 = arith.index_cast %get3A_2 : i32 to index
    %get3A_39 = arith.constant 0 : index
    %get3A_40 = arith.constant 0 : index
    %get3A_41 = vector.load %arg11[%get3A_38, %get3A_39, %get3A_40] : memref<2x1024x2048xf32, #tpu.memory_space<vmem>>, vector<1x1024x2048xf32>
    %get3A_42 = vector.shape_cast %get3A_41 : vector<1x1024x2048xf32> to vector<1024x2048xf32>
    %convert_element_type3A_43 = arith.truncf %get3A_42 : vector<1024x2048xf32> to vector<1024x2048xbf16>
    %dot_general3A_44 = arith.constant dense<0.000000e+00> : vector<128x1024xf32>
    %dot_general3A_45 = tpu.matmul %convert_element_type3A_37, %convert_element_type3A_43, %dot_general3A_44 {dimension_numbers = #tpu.dot_dimension_numbers<[1], [1], [0], [0], [0, 0, 1, 0], [], []>, transpose_lhs_hint = false} : vector<128x2048xbf16>, vector<1024x2048xbf16>, vector<128x1024xf32> -> vector<128x1024xf32>
    %swap3A = arith.constant 0 : index
    %swap3A_46 = arith.constant 0 : index
    %swap3A_47 = vector.load %arg9[%swap3A, %swap3A_46] : memref<128x1024xf32, #tpu.memory_space<vmem>>, vector<128x1024xf32>
    tpu.vector_store %arg9[%swap3A, %swap3A_46], %dot_general3A_45 {strides = array<i32>} : memref<128x1024xf32, #tpu.memory_space<vmem>>, vector<128x1024xf32>,
    return
  }
  func.func @transform_0(%arg0: i32, %arg1: memref<40xi32, #tpu.memory_space<smem>>, %arg2: memref<40xi32, #tpu.memory_space<smem>>, %arg3: memref<40xi32, #tpu.memory_space<smem>>, %arg4: memref<40xi32, #tpu.memory_space<smem>>, %arg5: memref<40xi32, #tpu.memory_space<smem>>) -> (i32, i32) {
    %c0_i32 = arith.constant 0 : i32
    %c0_i32_0 = arith.constant 0 : i32
    return %arg0, %c0_i32 : i32, i32
  }
  func.func @transform_3(%arg0: i32, %arg1: memref<40xi32, #tpu.memory_space<smem>>, %arg2: memref<40xi32, #tpu.memory_space<smem>>, %arg3: memref<40xi32, #tpu.memory_space<smem>>, %arg4: memref<40xi32, #tpu.memory_space<smem>>, %arg5: memref<40xi32, #tpu.memory_space<smem>>) -> (i32, i32) {
    %c0_i32 = arith.constant 0 : i32
    %c0_i32_0 = arith.constant 0 : i32
    return %arg0, %c0_i32 : i32, i32
  }
}

module attributes {stable_mosaic.version = 14 : i64} {
  func.func @_router_body(%arg0: memref<2048x1024xf32, #tpu.memory_space<vmem>>, %arg1: memref<8x1024xf32, #tpu.memory_space<vmem>>, %arg2: memref<2048x1xi32, #tpu.memory_space<vmem>>, %arg3: memref<2048x1xi32, #tpu.memory_space<vmem>>, %arg4: memref<2048x1xf32, #tpu.memory_space<vmem>>, %arg5: memref<2048x1xf32, #tpu.memory_space<vmem>>, %arg6: memref<40x1xi32, #tpu.memory_space<vmem>>, %arg7: memref<40x1xi32, #tpu.memory_space<vmem>>, %arg8: memref<40x1xi32, #tpu.memory_space<vmem>>, %arg9: memref<40x1xi32, #tpu.memory_space<vmem>>, %arg10: memref<40x1xi32, #tpu.memory_space<vmem>>) attributes {dimension_semantics = [], scalar_prefetch = 0 : i64, scratch_operands = 0 : i64, tpu.core_type = #tpu.core_type<tc>} {
    %get3A = arith.constant 0 : index
    %get3A_0 = arith.constant 0 : index
    %get3A_1 = vector.load %arg0[%get3A, %get3A_0] : memref<2048x1024xf32, #tpu.memory_space<vmem>>, vector<2048x1024xf32>
    %get3A_2 = arith.constant 0 : index
    %get3A_3 = arith.constant 0 : index
    %get3A_4 = vector.load %arg1[%get3A_2, %get3A_3] : memref<8x1024xf32, #tpu.memory_space<vmem>>, vector<8x1024xf32>
    %dot_general3A = arith.constant dense<0.000000e+00> : vector<2048x8xf32>
    %dot_general3A_5 = tpu.matmul %get3A_1, %get3A_4, %dot_general3A {dimension_numbers = #tpu.dot_dimension_numbers<[1], [1], [0], [0], [0, 0, 1, 0], [], []>, transpose_lhs_hint = false} : vector<2048x1024xf32>, vector<8x1024xf32>, vector<2048x8xf32> -> vector<2048x8xf32>
    %iota3A = tpu.iota {dimensions = array<i32: 1>} : vector<2048x8xi32>
    %reduce_max3A = arith.constant dense<0xFF800000> : vector<2048xf32>
    %reduce_max3A_6 = vector.multi_reduction <maximumf>, %dot_general3A_5, %reduce_max3A [1] : vector<2048x8xf32> to vector<2048xf32>
    %broadcast_in_dim3A = vector.shape_cast %reduce_max3A_6 : vector<2048xf32> to vector<2048x1xf32>
    %eq3A = vector.broadcast %broadcast_in_dim3A : vector<2048x1xf32> to vector<2048x8xf32>
    %eq3A_7 = arith.cmpf oeq, %dot_general3A_5, %eq3A : vector<2048x8xf32>
    %jit3A = arith.constant 8 : i32
    %broadcast_in_dim3A_8 = vector.broadcast %jit3A : i32 to vector<2048x8xi32>
    %select_n3A = arith.select %eq3A_7, %iota3A, %broadcast_in_dim3A_8 : vector<2048x8xi1>, vector<2048x8xi32>
    %reduce_min3A = arith.constant dense<2147483647> : vector<2048xi32>
    %reduce_min3A_9 = vector.multi_reduction <minsi>, %select_n3A, %reduce_min3A [1] : vector<2048x8xi32> to vector<2048xi32>
    %broadcast_in_dim3A_10 = vector.shape_cast %reduce_min3A_9 : vector<2048xi32> to vector<2048x1xi32>
    %eq3A_11 = vector.broadcast %broadcast_in_dim3A_10 : vector<2048x1xi32> to vector<2048x8xi32>
    %eq3A_12 = arith.cmpi eq, %iota3A, %eq3A_11 : vector<2048x8xi32>
    %jit3A_13 = arith.constant 0xFF800000 : f32
    %broadcast_in_dim3A_14 = vector.broadcast %jit3A_13 : f32 to vector<2048x8xf32>
    %select_n3A_15 = arith.select %eq3A_12, %broadcast_in_dim3A_14, %dot_general3A_5 : vector<2048x8xi1>, vector<2048x8xf32>
    %reduce_max3A_16 = arith.constant dense<0xFF800000> : vector<2048xf32>
    %reduce_max3A_17 = vector.multi_reduction <maximumf>, %select_n3A_15, %reduce_max3A_16 [1] : vector<2048x8xf32> to vector<2048xf32>
    %broadcast_in_dim3A_18 = vector.shape_cast %reduce_max3A_17 : vector<2048xf32> to vector<2048x1xf32>
    %eq3A_19 = vector.broadcast %broadcast_in_dim3A_18 : vector<2048x1xf32> to vector<2048x8xf32>
    %eq3A_20 = arith.cmpf oeq, %select_n3A_15, %eq3A_19 : vector<2048x8xf32>
    %jit3A_21 = arith.constant 8 : i32
    %broadcast_in_dim3A_22 = vector.broadcast %jit3A_21 : i32 to vector<2048x8xi32>
    %select_n3A_23 = arith.select %eq3A_20, %iota3A, %broadcast_in_dim3A_22 : vector<2048x8xi1>, vector<2048x8xi32>
    %reduce_min3A_24 = arith.constant dense<2147483647> : vector<2048xi32>
    %reduce_min3A_25 = vector.multi_reduction <minsi>, %select_n3A_23, %reduce_min3A_24 [1] : vector<2048x8xi32> to vector<2048xi32>
    %broadcast_in_dim3A_26 = vector.shape_cast %reduce_min3A_25 : vector<2048xi32> to vector<2048x1xi32>
    %sub3A = arith.subf %broadcast_in_dim3A_18, %broadcast_in_dim3A : vector<2048x1xf32>
    %exp3A = math.exp %sub3A : vector<2048x1xf32>
    %add3A = arith.constant 1.000000e+00 : f32
    %add3A_27 = vector.broadcast %add3A : f32 to vector<2048x1xf32>
    %add3A_28 = arith.addf %add3A_27, %exp3A : vector<2048x1xf32>
    %div3A = arith.constant 1.000000e+00 : f32
    %div3A_29 = vector.broadcast %div3A : f32 to vector<2048x1xf32>
    %div3A_30 = arith.divf %div3A_29, %add3A_28 : vector<2048x1xf32>
    %swap3A = arith.constant 0 : index
    %swap3A_31 = arith.constant 0 : index
    %swap3A_32 = vector.load %arg4[%swap3A, %swap3A_31] : memref<2048x1xf32, #tpu.memory_space<vmem>>, vector<2048x1xf32>
    tpu.vector_store %arg4[%swap3A, %swap3A_31], %div3A_30 {strides = array<i32>} : memref<2048x1xf32, #tpu.memory_space<vmem>>, vector<2048x1xf32>,
    %sub3A_33 = arith.constant 1.000000e+00 : f32
    %sub3A_34 = vector.broadcast %sub3A_33 : f32 to vector<2048x1xf32>
    %sub3A_35 = arith.subf %sub3A_34, %div3A_30 : vector<2048x1xf32>
    %swap3A_36 = arith.constant 0 : index
    %swap3A_37 = arith.constant 0 : index
    %swap3A_38 = vector.load %arg5[%swap3A_36, %swap3A_37] : memref<2048x1xf32, #tpu.memory_space<vmem>>, vector<2048x1xf32>
    tpu.vector_store %arg5[%swap3A_36, %swap3A_37], %sub3A_35 {strides = array<i32>} : memref<2048x1xf32, #tpu.memory_space<vmem>>, vector<2048x1xf32>,
    %eq3A_39 = vector.broadcast %broadcast_in_dim3A_10 : vector<2048x1xi32> to vector<2048x8xi32>
    %eq3A_40 = arith.cmpi eq, %iota3A, %eq3A_39 : vector<2048x8xi32>
    %convert_element_type3A = arith.extui %eq3A_40 : vector<2048x8xi1> to vector<2048x8xi32>
    %convert_element_type3A_41 = arith.sitofp %convert_element_type3A : vector<2048x8xi32> to vector<2048x8xf32>
    %eq3A_42 = vector.broadcast %broadcast_in_dim3A_26 : vector<2048x1xi32> to vector<2048x8xi32>
    %eq3A_43 = arith.cmpi eq, %iota3A, %eq3A_42 : vector<2048x8xi32>
    %convert_element_type3A_44 = arith.extui %eq3A_43 : vector<2048x8xi1> to vector<2048x8xi32>
    %convert_element_type3A_45 = arith.sitofp %convert_element_type3A_44 : vector<2048x8xi32> to vector<2048x8xf32>
    %iota3A_46 = tpu.iota {dimensions = array<i32: 0>} : vector<2048x2048xi32>
    %iota3A_47 = tpu.iota {dimensions = array<i32: 1>} : vector<2048x2048xi32>
    %ge3A = arith.cmpi sge, %iota3A_46, %iota3A_47 : vector<2048x2048xi32>
    %convert_element_type3A_48 = arith.extui %ge3A : vector<2048x2048xi1> to vector<2048x2048xi32>
    %convert_element_type3A_49 = arith.sitofp %convert_element_type3A_48 : vector<2048x2048xi32> to vector<2048x2048xf32>
    %dot_general3A_50 = arith.constant dense<0.000000e+00> : vector<2048x8xf32>
    %dot_general3A_51 = tpu.matmul %convert_element_type3A_49, %convert_element_type3A_41, %dot_general3A_50 {dimension_numbers = #tpu.dot_dimension_numbers<[1], [0], [0], [1], [0, 0, 1, 1], [], []>, transpose_lhs_hint = false} : vector<2048x2048xf32>, vector<2048x8xf32>, vector<2048x8xf32> -> vector<2048x8xf32>
    %dot_general3A_52 = arith.constant dense<0.000000e+00> : vector<2048x8xf32>
    %dot_general3A_53 = tpu.matmul %convert_element_type3A_49, %convert_element_type3A_45, %dot_general3A_52 {dimension_numbers = #tpu.dot_dimension_numbers<[1], [0], [0], [1], [0, 0, 1, 1], [], []>, transpose_lhs_hint = false} : vector<2048x2048xf32>, vector<2048x8xf32>, vector<2048x8xf32> -> vector<2048x8xf32>
    %reduce_sum3A = arith.constant dense<0.000000e+00> : vector<8xf32>
    %reduce_sum3A_54 = vector.multi_reduction <add>, %convert_element_type3A_41, %reduce_sum3A [0] : vector<2048x8xf32> to vector<8xf32>
    %broadcast_in_dim3A_55 = vector.shape_cast %reduce_sum3A_54 : vector<8xf32> to vector<1x8xf32>
    %reduce_sum3A_56 = arith.constant dense<0.000000e+00> : vector<8xf32>
    %reduce_sum3A_57 = vector.multi_reduction <add>, %convert_element_type3A_45, %reduce_sum3A_56 [0] : vector<2048x8xf32> to vector<8xf32>
    %broadcast_in_dim3A_58 = vector.shape_cast %reduce_sum3A_57 : vector<8xf32> to vector<1x8xf32>
    %sub3A_59 = arith.constant 1.000000e+00 : f32
    %sub3A_60 = vector.broadcast %sub3A_59 : f32 to vector<2048x8xf32>
    %sub3A_61 = arith.subf %dot_general3A_51, %sub3A_60 : vector<2048x8xf32>
    %sub3A_62 = arith.constant 1.000000e+00 : f32
    %sub3A_63 = vector.broadcast %sub3A_62 : f32 to vector<2048x8xf32>
    %sub3A_64 = arith.subf %dot_general3A_53, %sub3A_63 : vector<2048x8xf32>
    %add3A_65 = vector.broadcast %broadcast_in_dim3A_55 : vector<1x8xf32> to vector<2048x8xf32>
    %add3A_66 = arith.addf %sub3A_64, %add3A_65 : vector<2048x8xf32>
    %add3A_67 = arith.addf %broadcast_in_dim3A_55, %broadcast_in_dim3A_58 : vector<1x8xf32>
    %convert_element_type3A_68 = arith.fptosi %add3A_67 : vector<1x8xf32> to vector<1x8xi32>
    %add3A_69 = arith.constant 127 : i32
    %add3A_70 = vector.broadcast %add3A_69 : i32 to vector<1x8xi32>
    %add3A_71 = arith.addi %convert_element_type3A_68, %add3A_70 : vector<1x8xi32>
    %jit3A_72 = arith.constant 128 : i32
    %div3A_73 = vector.broadcast %jit3A_72 : i32 to vector<1x8xi32>
    %div3A_74 = arith.divsi %add3A_71, %div3A_73 : vector<1x8xi32>
    %sign3A = arith.constant 0 : i32
    %sign3A_75 = vector.broadcast %sign3A : i32 to vector<1x8xi32>
    %sign3A_76 = arith.cmpi sgt, %add3A_71, %sign3A_75 : vector<1x8xi32>
    %sign3A_77 = arith.extui %sign3A_76 : vector<1x8xi1> to vector<1x8xi32>
    %sign3A_78 = arith.constant 0 : i32
    %sign3A_79 = vector.broadcast %sign3A_78 : i32 to vector<1x8xi32>
    %sign3A_80 = arith.cmpi slt, %add3A_71, %sign3A_79 : vector<1x8xi32>
    %sign3A_81 = arith.extui %sign3A_80 : vector<1x8xi1> to vector<1x8xi32>
    %sign3A_82 = arith.subi %sign3A_77, %sign3A_81 : vector<1x8xi32>
    %sign3A_83 = arith.constant 0 : i32
    %sign3A_84 = arith.cmpi sgt, %jit3A_72, %sign3A_83 : i32
    %sign3A_85 = arith.extui %sign3A_84 : i1 to i32
    %sign3A_86 = arith.constant 0 : i32
    %sign3A_87 = arith.cmpi slt, %jit3A_72, %sign3A_86 : i32
    %sign3A_88 = arith.extui %sign3A_87 : i1 to i32
    %sign3A_89 = arith.subi %sign3A_85, %sign3A_88 : i32
    %ne3A = vector.broadcast %sign3A_89 : i32 to vector<1x8xi32>
    %ne3A_90 = arith.cmpi ne, %sign3A_82, %ne3A : vector<1x8xi32>
    %rem3A = vector.broadcast %jit3A_72 : i32 to vector<1x8xi32>
    %rem3A_91 = arith.remsi %add3A_71, %rem3A : vector<1x8xi32>
    %ne3A_92 = arith.constant 0 : i32
    %ne3A_93 = vector.broadcast %ne3A_92 : i32 to vector<1x8xi32>
    %ne3A_94 = arith.cmpi ne, %rem3A_91, %ne3A_93 : vector<1x8xi32>
    %and3A = arith.andi %ne3A_90, %ne3A_94 : vector<1x8xi1>
    %sub3A_95 = arith.constant 1 : i32
    %sub3A_96 = vector.broadcast %sub3A_95 : i32 to vector<1x8xi32>
    %sub3A_97 = arith.subi %div3A_74, %sub3A_96 : vector<1x8xi32>
    %select_n3A_98 = arith.select %and3A, %sub3A_97, %div3A_74 : vector<1x8xi1>, vector<1x8xi32>
    %mul3A = arith.constant 128 : i32
    %mul3A_99 = vector.broadcast %mul3A : i32 to vector<1x8xi32>
    %mul3A_100 = arith.muli %select_n3A_98, %mul3A_99 : vector<1x8xi32>
    %iota3A_101 = tpu.iota {dimensions = array<i32: 0>} : vector<8x8xi32>
    %iota3A_102 = tpu.iota {dimensions = array<i32: 1>} : vector<8x8xi32>
    %lt3A = arith.cmpi slt, %iota3A_101, %iota3A_102 : vector<8x8xi32>
    %convert_element_type3A_103 = arith.extui %lt3A : vector<8x8xi1> to vector<8x8xi32>
    %convert_element_type3A_104 = arith.sitofp %convert_element_type3A_103 : vector<8x8xi32> to vector<8x8xf32>
    %convert_element_type3A_105 = arith.sitofp %mul3A_100 : vector<1x8xi32> to vector<1x8xf32>
    %dot_general3A_106 = arith.constant dense<0.000000e+00> : vector<1x8xf32>
    %dot_general3A_107 = tpu.matmul %convert_element_type3A_105, %convert_element_type3A_104, %dot_general3A_106 {dimension_numbers = #tpu.dot_dimension_numbers<[1], [0], [0], [1], [0, 0, 1, 1], [], []>, transpose_lhs_hint = false} : vector<1x8xf32>, vector<8x8xf32>, vector<1x8xf32> -> vector<1x8xf32>
    %add3A_108 = vector.broadcast %dot_general3A_107 : vector<1x8xf32> to vector<2048x8xf32>
    %add3A_109 = arith.addf %add3A_108, %sub3A_61 : vector<2048x8xf32>
    %mul3A_110 = arith.mulf %convert_element_type3A_41, %add3A_109 : vector<2048x8xf32>
    %reduce_sum3A_111 = arith.constant dense<0.000000e+00> : vector<2048xf32>
    %reduce_sum3A_112 = vector.multi_reduction <add>, %mul3A_110, %reduce_sum3A_111 [1] : vector<2048x8xf32> to vector<2048xf32>
    %broadcast_in_dim3A_113 = vector.shape_cast %reduce_sum3A_112 : vector<2048xf32> to vector<2048x1xf32>
    %convert_element_type3A_114 = arith.fptosi %broadcast_in_dim3A_113 : vector<2048x1xf32> to vector<2048x1xi32>
    %swap3A_115 = arith.constant 0 : index
    %swap3A_116 = arith.constant 0 : index
    %swap3A_117 = vector.load %arg2[%swap3A_115, %swap3A_116] : memref<2048x1xi32, #tpu.memory_space<vmem>>, vector<2048x1xi32>
    tpu.vector_store %arg2[%swap3A_115, %swap3A_116], %convert_element_type3A_114 {strides = array<i32>} : memref<2048x1xi32, #tpu.memory_space<vmem>>, vector<2048x1xi32>,
    %add3A_118 = vector.broadcast %dot_general3A_107 : vector<1x8xf32> to vector<2048x8xf32>
    %add3A_119 = arith.addf %add3A_118, %add3A_66 : vector<2048x8xf32>
    %mul3A_120 = arith.mulf %convert_element_type3A_45, %add3A_119 : vector<2048x8xf32>
    %reduce_sum3A_121 = arith.constant dense<0.000000e+00> : vector<2048xf32>
    %reduce_sum3A_122 = vector.multi_reduction <add>, %mul3A_120, %reduce_sum3A_121 [1] : vector<2048x8xf32> to vector<2048xf32>
    %broadcast_in_dim3A_123 = vector.shape_cast %reduce_sum3A_122 : vector<2048xf32> to vector<2048x1xf32>
    %convert_element_type3A_124 = arith.fptosi %broadcast_in_dim3A_123 : vector<2048x1xf32> to vector<2048x1xi32>
    %swap3A_125 = arith.constant 0 : index
    %swap3A_126 = arith.constant 0 : index
    %swap3A_127 = vector.load %arg3[%swap3A_125, %swap3A_126] : memref<2048x1xi32, #tpu.memory_space<vmem>>, vector<2048x1xi32>
    tpu.vector_store %arg3[%swap3A_125, %swap3A_126], %convert_element_type3A_124 {strides = array<i32>} : memref<2048x1xi32, #tpu.memory_space<vmem>>, vector<2048x1xi32>,
    %convert_element_type3A_128 = arith.fptosi %dot_general3A_107 : vector<1x8xf32> to vector<1x8xi32>
    %add3A_129 = arith.addi %convert_element_type3A_128, %mul3A_100 : vector<1x8xi32>
    %jit3A_130 = arith.constant 128 : i32
    %div3A_131 = vector.broadcast %jit3A_130 : i32 to vector<1x8xi32>
    %div3A_132 = arith.divsi %add3A_129, %div3A_131 : vector<1x8xi32>
    %sign3A_133 = arith.constant 0 : i32
    %sign3A_134 = vector.broadcast %sign3A_133 : i32 to vector<1x8xi32>
    %sign3A_135 = arith.cmpi sgt, %add3A_129, %sign3A_134 : vector<1x8xi32>
    %sign3A_136 = arith.extui %sign3A_135 : vector<1x8xi1> to vector<1x8xi32>
    %sign3A_137 = arith.constant 0 : i32
    %sign3A_138 = vector.broadcast %sign3A_137 : i32 to vector<1x8xi32>
    %sign3A_139 = arith.cmpi slt, %add3A_129, %sign3A_138 : vector<1x8xi32>
    %sign3A_140 = arith.extui %sign3A_139 : vector<1x8xi1> to vector<1x8xi32>
    %sign3A_141 = arith.subi %sign3A_136, %sign3A_140 : vector<1x8xi32>
    %sign3A_142 = arith.constant 0 : i32
    %sign3A_143 = arith.cmpi sgt, %jit3A_130, %sign3A_142 : i32
    %sign3A_144 = arith.extui %sign3A_143 : i1 to i32
    %sign3A_145 = arith.constant 0 : i32
    %sign3A_146 = arith.cmpi slt, %jit3A_130, %sign3A_145 : i32
    %sign3A_147 = arith.extui %sign3A_146 : i1 to i32
    %sign3A_148 = arith.subi %sign3A_144, %sign3A_147 : i32
    %ne3A_149 = vector.broadcast %sign3A_148 : i32 to vector<1x8xi32>
    %ne3A_150 = arith.cmpi ne, %sign3A_141, %ne3A_149 : vector<1x8xi32>
    %rem3A_151 = vector.broadcast %jit3A_130 : i32 to vector<1x8xi32>
    %rem3A_152 = arith.remsi %add3A_129, %rem3A_151 : vector<1x8xi32>
    %ne3A_153 = arith.constant 0 : i32
    %ne3A_154 = vector.broadcast %ne3A_153 : i32 to vector<1x8xi32>
    %ne3A_155 = arith.cmpi ne, %rem3A_152, %ne3A_154 : vector<1x8xi32>
    %and3A_156 = arith.andi %ne3A_150, %ne3A_155 : vector<1x8xi1>
    %sub3A_157 = arith.constant 1 : i32
    %sub3A_158 = vector.broadcast %sub3A_157 : i32 to vector<1x8xi32>
    %sub3A_159 = arith.subi %div3A_132, %sub3A_158 : vector<1x8xi32>
    %select_n3A_160 = arith.select %and3A_156, %sub3A_159, %div3A_132 : vector<1x8xi1>, vector<1x8xi32>
    %iota3A_161 = tpu.iota {dimensions = array<i32: 0>} : vector<40x8xi32>
    %iota3A_162 = tpu.iota {dimensions = array<i32: 1>} : vector<40x8xi32>
    %broadcast_in_dim3A_163 = vector.shape_cast %select_n3A_160 : vector<1x8xi32> to vector<1x8xi32>
    %broadcast_in_dim3A_164 = vector.broadcast %broadcast_in_dim3A_163 : vector<1x8xi32> to vector<40x8xi32>
    %le3A = arith.cmpi sle, %broadcast_in_dim3A_164, %iota3A_161 : vector<40x8xi32>
    %convert_element_type3A_165 = arith.extui %le3A : vector<40x8xi1> to vector<40x8xi32>
    %reduce_sum3A_166 = arith.constant dense<0> : vector<40xi32>
    %reduce_sum3A_167 = vector.multi_reduction <add>, %convert_element_type3A_165, %reduce_sum3A_166 [1] : vector<40x8xi32> to vector<40xi32>
    %broadcast_in_dim3A_168 = vector.shape_cast %reduce_sum3A_167 : vector<40xi32> to vector<40x1xi32>
    %min3A = arith.constant 7 : i32
    %min3A_169 = vector.broadcast %min3A : i32 to vector<40x1xi32>
    %min3A_170 = arith.minsi %broadcast_in_dim3A_168, %min3A_169 : vector<40x1xi32>
    %swap3A_171 = arith.constant 0 : index
    %swap3A_172 = arith.constant 0 : index
    %swap3A_173 = vector.load %arg6[%swap3A_171, %swap3A_172] : memref<40x1xi32, #tpu.memory_space<vmem>>, vector<40x1xi32>
    tpu.vector_store %arg6[%swap3A_171, %swap3A_172], %min3A_170 {strides = array<i32>} : memref<40x1xi32, #tpu.memory_space<vmem>>, vector<40x1xi32>,
    %jit3A_174 = arith.constant 128 : i32
    %div3A_175 = vector.broadcast %jit3A_174 : i32 to vector<1x8xi32>
    %div3A_176 = arith.divsi %convert_element_type3A_128, %div3A_175 : vector<1x8xi32>
    %sign3A_177 = arith.constant 0 : i32
    %sign3A_178 = vector.broadcast %sign3A_177 : i32 to vector<1x8xi32>
    %sign3A_179 = arith.cmpi sgt, %convert_element_type3A_128, %sign3A_178 : vector<1x8xi32>
    %sign3A_180 = arith.extui %sign3A_179 : vector<1x8xi1> to vector<1x8xi32>
    %sign3A_181 = arith.constant 0 : i32
    %sign3A_182 = vector.broadcast %sign3A_181 : i32 to vector<1x8xi32>
    %sign3A_183 = arith.cmpi slt, %convert_element_type3A_128, %sign3A_182 : vector<1x8xi32>
    %sign3A_184 = arith.extui %sign3A_183 : vector<1x8xi1> to vector<1x8xi32>
    %sign3A_185 = arith.subi %sign3A_180, %sign3A_184 : vector<1x8xi32>
    %sign3A_186 = arith.constant 0 : i32
    %sign3A_187 = arith.cmpi sgt, %jit3A_174, %sign3A_186 : i32
    %sign3A_188 = arith.extui %sign3A_187 : i1 to i32
    %sign3A_189 = arith.constant 0 : i32
    %sign3A_190 = arith.cmpi slt, %jit3A_174, %sign3A_189 : i32
    %sign3A_191 = arith.extui %sign3A_190 : i1 to i32
    %sign3A_192 = arith.subi %sign3A_188, %sign3A_191 : i32
    %ne3A_193 = vector.broadcast %sign3A_192 : i32 to vector<1x8xi32>
    %ne3A_194 = arith.cmpi ne, %sign3A_185, %ne3A_193 : vector<1x8xi32>
    %rem3A_195 = vector.broadcast %jit3A_174 : i32 to vector<1x8xi32>
    %rem3A_196 = arith.remsi %convert_element_type3A_128, %rem3A_195 : vector<1x8xi32>
    %ne3A_197 = arith.constant 0 : i32
    %ne3A_198 = vector.broadcast %ne3A_197 : i32 to vector<1x8xi32>
    %ne3A_199 = arith.cmpi ne, %rem3A_196, %ne3A_198 : vector<1x8xi32>
    %and3A_200 = arith.andi %ne3A_194, %ne3A_199 : vector<1x8xi1>
    %sub3A_201 = arith.constant 1 : i32
    %sub3A_202 = vector.broadcast %sub3A_201 : i32 to vector<1x8xi32>
    %sub3A_203 = arith.subi %div3A_176, %sub3A_202 : vector<1x8xi32>
    %select_n3A_204 = arith.select %and3A_200, %sub3A_203, %div3A_176 : vector<1x8xi1>, vector<1x8xi32>
    %broadcast_in_dim3A_205 = vector.shape_cast %select_n3A_204 : vector<1x8xi32> to vector<1x8xi32>
    %broadcast_in_dim3A_206 = vector.broadcast %broadcast_in_dim3A_205 : vector<1x8xi32> to vector<40x8xi32>
    %gt3A = arith.constant 0 : i32
    %gt3A_207 = vector.broadcast %gt3A : i32 to vector<1x8xi32>
    %gt3A_208 = arith.cmpi sgt, %mul3A_100, %gt3A_207 : vector<1x8xi32>
    %broadcast_in_dim3A_209 = vector.shape_cast %gt3A_208 : vector<1x8xi1> to vector<1x8xi1>
    %broadcast_in_dim3A_210 = vector.broadcast %broadcast_in_dim3A_209 : vector<1x8xi1> to vector<40x8xi1>
    %eq3A_211 = arith.cmpi eq, %broadcast_in_dim3A_206, %iota3A_161 : vector<40x8xi32>
    %and3A_212 = arith.andi %eq3A_211, %broadcast_in_dim3A_210 : vector<40x8xi1>
    %convert_element_type3A_213 = arith.extui %and3A_212 : vector<40x8xi1> to vector<40x8xi32>
    %reduce_sum3A_214 = arith.constant dense<0> : vector<40xi32>
    %reduce_sum3A_215 = vector.multi_reduction <add>, %convert_element_type3A_213, %reduce_sum3A_214 [1] : vector<40x8xi32> to vector<40xi32>
    %broadcast_in_dim3A_216 = vector.shape_cast %reduce_sum3A_215 : vector<40xi32> to vector<40x1xi32>
    %gt3A_217 = arith.constant 0 : i32
    %gt3A_218 = vector.broadcast %gt3A_217 : i32 to vector<40x1xi32>
    %gt3A_219 = arith.cmpi sgt, %broadcast_in_dim3A_216, %gt3A_218 : vector<40x1xi32>
    %convert_element_type3A_220 = arith.extui %gt3A_219 : vector<40x1xi1> to vector<40x1xi32>
    %swap3A_221 = arith.constant 0 : index
    %swap3A_222 = arith.constant 0 : index
    %swap3A_223 = vector.load %arg7[%swap3A_221, %swap3A_222] : memref<40x1xi32, #tpu.memory_space<vmem>>, vector<40x1xi32>
    tpu.vector_store %arg7[%swap3A_221, %swap3A_222], %convert_element_type3A_220 {strides = array<i32>} : memref<40x1xi32, #tpu.memory_space<vmem>>, vector<40x1xi32>,
    %iota3A_224 = tpu.iota {dimensions = array<i32: 0>} : vector<40x40xi32>
    %iota3A_225 = tpu.iota {dimensions = array<i32: 1>} : vector<40x40xi32>
    %ge3A_226 = arith.cmpi sge, %iota3A_224, %iota3A_225 : vector<40x40xi32>
    %convert_element_type3A_227 = arith.extui %ge3A_226 : vector<40x40xi1> to vector<40x40xi32>
    %convert_element_type3A_228 = arith.sitofp %convert_element_type3A_227 : vector<40x40xi32> to vector<40x40xf32>
    %convert_element_type3A_229 = arith.sitofp %convert_element_type3A_220 : vector<40x1xi32> to vector<40x1xf32>
    %dot_general3A_230 = arith.constant dense<0.000000e+00> : vector<40x1xf32>
    %dot_general3A_231 = tpu.matmul %convert_element_type3A_228, %convert_element_type3A_229, %dot_general3A_230 {dimension_numbers = #tpu.dot_dimension_numbers<[1], [0], [0], [1], [0, 0, 1, 1], [], []>, transpose_lhs_hint = false} : vector<40x40xf32>, vector<40x1xf32>, vector<40x1xf32> -> vector<40x1xf32>
    %convert_element_type3A_232 = arith.fptosi %dot_general3A_231 : vector<40x1xf32> to vector<40x1xi32>
    %sub3A_233 = arith.constant 1 : i32
    %sub3A_234 = vector.broadcast %sub3A_233 : i32 to vector<40x1xi32>
    %sub3A_235 = arith.subi %convert_element_type3A_232, %sub3A_234 : vector<40x1xi32>
    %rem3A_236 = arith.constant 2 : i32
    %rem3A_237 = vector.broadcast %rem3A_236 : i32 to vector<40x1xi32>
    %rem3A_238 = arith.remsi %sub3A_235, %rem3A_237 : vector<40x1xi32>
    %swap3A_239 = arith.constant 0 : index
    %swap3A_240 = arith.constant 0 : index
    %swap3A_241 = vector.load %arg8[%swap3A_239, %swap3A_240] : memref<40x1xi32, #tpu.memory_space<vmem>>, vector<40x1xi32>
    tpu.vector_store %arg8[%swap3A_239, %swap3A_240], %rem3A_238 {strides = array<i32>} : memref<40x1xi32, #tpu.memory_space<vmem>>, vector<40x1xi32>,
    %broadcast_in_dim3A_242 = vector.shape_cast %min3A_170 : vector<40x1xi32> to vector<40x1xi32>
    %broadcast_in_dim3A_243 = vector.broadcast %broadcast_in_dim3A_242 : vector<40x1xi32> to vector<40x8xi32>
    %gt3A_244 = arith.cmpi sgt, %iota3A_162, %broadcast_in_dim3A_243 : vector<40x8xi32>
    %and3A_245 = arith.andi %gt3A_244, %broadcast_in_dim3A_210 : vector<40x8xi1>
    %jit3A_246 = arith.constant 8 : i32
    %broadcast_in_dim3A_247 = vector.broadcast %jit3A_246 : i32 to vector<40x8xi32>
    %select_n3A_248 = arith.select %and3A_245, %iota3A_162, %broadcast_in_dim3A_247 : vector<40x8xi1>, vector<40x8xi32>
    %reduce_min3A_249 = arith.constant dense<2147483647> : vector<40xi32>
    %reduce_min3A_250 = vector.multi_reduction <minsi>, %select_n3A_248, %reduce_min3A_249 [1] : vector<40x8xi32> to vector<40xi32>
    %broadcast_in_dim3A_251 = vector.shape_cast %reduce_min3A_250 : vector<40xi32> to vector<40x1xi32>
    %lt3A_252 = arith.constant 8 : i32
    %lt3A_253 = vector.broadcast %lt3A_252 : i32 to vector<40x1xi32>
    %lt3A_254 = arith.cmpi slt, %broadcast_in_dim3A_251, %lt3A_253 : vector<40x1xi32>
    %convert_element_type3A_255 = arith.extui %lt3A_254 : vector<40x1xi1> to vector<40x1xi32>
    %swap3A_256 = arith.constant 0 : index
    %swap3A_257 = arith.constant 0 : index
    %swap3A_258 = vector.load %arg10[%swap3A_256, %swap3A_257] : memref<40x1xi32, #tpu.memory_space<vmem>>, vector<40x1xi32>
    tpu.vector_store %arg10[%swap3A_256, %swap3A_257], %convert_element_type3A_255 {strides = array<i32>} : memref<40x1xi32, #tpu.memory_space<vmem>>, vector<40x1xi32>,
    %min3A_259 = arith.constant 7 : i32
    %min3A_260 = vector.broadcast %min3A_259 : i32 to vector<40x1xi32>
    %min3A_261 = arith.minsi %broadcast_in_dim3A_251, %min3A_260 : vector<40x1xi32>
    %swap3A_262 = arith.constant 0 : index
    %swap3A_263 = arith.constant 0 : index
    %swap3A_264 = vector.load %arg9[%swap3A_262, %swap3A_263] : memref<40x1xi32, #tpu.memory_space<vmem>>, vector<40x1xi32>
    tpu.vector_store %arg9[%swap3A_262, %swap3A_263], %min3A_261 {strides = array<i32>} : memref<40x1xi32, #tpu.memory_space<vmem>>, vector<40x1xi32>,
    return
  }
}

module attributes {stable_mosaic.version = 14 : i64} {
  func.func @_combine_body(%arg0: i32, %arg1: memref<256x1024xf32, #tpu.memory_space<vmem>>, %arg2: memref<256x1024xf32, #tpu.memory_space<vmem>>, %arg3: memref<256x1xf32, #tpu.memory_space<vmem>>, %arg4: memref<256x1xf32, #tpu.memory_space<vmem>>, %arg5: memref<256x1024xf32, #tpu.memory_space<vmem>>) attributes {dimension_semantics = [#tpu.dimension_semantics<arbitrary>], iteration_bounds = array<i64: 8>, scalar_prefetch = 0 : i64, scratch_operands = 0 : i64, tpu.core_type = #tpu.core_type<tc>, window_params = [{transform_indices = @transform_0, window_bounds = array<i64: 256, 1024>}, {transform_indices = @transform_1, window_bounds = array<i64: 256, 1024>}, {transform_indices = @transform_2, window_bounds = array<i64: 256, 1>}, {transform_indices = @transform_3, window_bounds = array<i64: 256, 1>}, {transform_indices = @transform_4, window_bounds = array<i64: 256, 1024>}]} {
    %get3A = arith.constant 0 : index
    %get3A_0 = arith.constant 0 : index
    %get3A_1 = vector.load %arg3[%get3A, %get3A_0] : memref<256x1xf32, #tpu.memory_space<vmem>>, vector<256x1xf32>
    %get3A_2 = arith.constant 0 : index
    %get3A_3 = arith.constant 0 : index
    %get3A_4 = vector.load %arg1[%get3A_2, %get3A_3] : memref<256x1024xf32, #tpu.memory_space<vmem>>, vector<256x1024xf32>
    %mul3A = vector.broadcast %get3A_1 : vector<256x1xf32> to vector<256x1024xf32>
    %mul3A_5 = arith.mulf %mul3A, %get3A_4 : vector<256x1024xf32>
    %get3A_6 = arith.constant 0 : index
    %get3A_7 = arith.constant 0 : index
    %get3A_8 = vector.load %arg4[%get3A_6, %get3A_7] : memref<256x1xf32, #tpu.memory_space<vmem>>, vector<256x1xf32>
    %get3A_9 = arith.constant 0 : index
    %get3A_10 = arith.constant 0 : index
    %get3A_11 = vector.load %arg2[%get3A_9, %get3A_10] : memref<256x1024xf32, #tpu.memory_space<vmem>>, vector<256x1024xf32>
    %mul3A_12 = vector.broadcast %get3A_8 : vector<256x1xf32> to vector<256x1024xf32>
    %mul3A_13 = arith.mulf %mul3A_12, %get3A_11 : vector<256x1024xf32>
    %add3A = arith.addf %mul3A_5, %mul3A_13 : vector<256x1024xf32>
    %swap3A = arith.constant 0 : index
    %swap3A_14 = arith.constant 0 : index
    %swap3A_15 = vector.load %arg5[%swap3A, %swap3A_14] : memref<256x1024xf32, #tpu.memory_space<vmem>>, vector<256x1024xf32>
    tpu.vector_store %arg5[%swap3A, %swap3A_14], %add3A {strides = array<i32>} : memref<256x1024xf32, #tpu.memory_space<vmem>>, vector<256x1024xf32>,
    return
  }
  func.func @transform_0(%arg0: i32) -> (i32, i32) {
    %c0_i32 = arith.constant 0 : i32
    %c0_i32_0 = arith.constant 0 : i32
    return %arg0, %c0_i32 : i32, i32
  }
  func.func @transform_1(%arg0: i32) -> (i32, i32) {
    %add3A = arith.constant 8 : i32
    %add3A_0 = arith.addi %arg0, %add3A : i32
    %c0_i32 = arith.constant 0 : i32
    %c0_i32_1 = arith.constant 0 : i32
    return %add3A_0, %c0_i32 : i32, i32
  }
  func.func @transform_2(%arg0: i32) -> (i32, i32) {
    %c0_i32 = arith.constant 0 : i32
    %c0_i32_0 = arith.constant 0 : i32
    return %arg0, %c0_i32 : i32, i32
  }
  func.func @transform_3(%arg0: i32) -> (i32, i32) {
    %c0_i32 = arith.constant 0 : i32
    %c0_i32_0 = arith.constant 0 : i32
    return %arg0, %c0_i32 : i32, i32
  }
  func.func @transform_4(%arg0: i32) -> (i32, i32) {
    %c0_i32 = arith.constant 0 : i32
    %c0_i32_0 = arith.constant 0 : i32
    return %arg0, %c0_i32 : i32, i32
  }
}

</mosaic_0001>

<sc_bundles>
// kernel: kernel.10.cloned.1.call-start
scs
__scs_entry_jumppad:
0x0: {  	(pc) =	sbr.rel $0x88, $3  }
0x1: {  	(tag) =	ssettag $0x0;
	lr =	simm.s32 $0x1  }
0x2: {  	[smem:$0x3F9D] =	sst lr;
	_ =	strace $0xD0000000  }
0x3: {  	_ = 	snop  }
0x4: {  	_ = 	snop  }
0x5: {  	_ = 	snop  }
0x6: {  	_ = 	snop  }
0x7: {  	_ = 	snop  }
__scs_overlays_trampoline_lowered:
0x8: {  	[smem:$0x3FAC] =	sst s0  }
0x9: {  	[smem:$0x3FAD] =	sst s1  }
0xa: {  	[smem:$0x3FAE] =	sst s2  }
0xb: {  	[smem:$0x3FAF] =	sst s3  }
0xc: {  	[smem:$0x3FB0] =	sst s4  }
0xd: {  	[smem:$0x3FB1] =	sst s5  }
0xe: {  	[smem:$0x3FB2] =	sst s6  }
0xf: {  	[smem:$0x3FB3] =	sst s7  }
0x10: {  	[smem:$0x3FB4] =	sst s8  }
0x11: {  	[smem:$0x3FB5] =	sst s9;
	s0 =	simm.s32 @!p0 $0x0  }
0x12: {  	s1 =	sld [smem:$0x3F9B];
	s0 =	simm.s32 @p0 $0x1  }
0x13: {  	[smem:$0x3FB6] =	sst s0;
	s0 =	simm.s32 @!p1 $0x0  }
0x14: {  	s2 =	sld [smem:$0x3F9A];
	s0 =	simm.s32 @p1 $0x1  }
0x15: {  	[smem:$0x3FB7] =	sst s0;
	s0 =	simm.s32 @!p2 $0x0  }
0x16: {  	s3 =	sld [smem:$0x3FDB];
	s0 =	simm.s32 @p2 $0x1  }
0x17: {  	s4 =	simm.s32 $0x1BF5;
	[smem:$0x3FB9] =	sst s0  }
0x18: {  	s0 =	sld [smem:$0x3F9C];
	_ =	swait.ge [sflag:s4], $0x0  }
0x19: {  	s7 =	sld [smem:$0x3F9D]  }
0x1a: {  	s8 =	sadd.s32 $0xFFFFE003, lr  }
0x1b: {  	s9 =	sadd.s32 $0xFFFFFEF7, lr;
	s5 =	simm.s32 $0xFFFFFFFF;
	p2 =	slt.u32 s8, $0xFFFFF086  }
0x1c: {  	p1 =	slt.u32 s9, $0xF7A;
	s5 =	simm.s32 @!p2 $0x0  }
0x1d: {  	s5 =	simm.s32 @p1 $0x1;
	p0 =	seq.s32 s7, s2  }
0x1e: {  	s7 =	smul.u32 @!p0 $0xF7A, s2;
	p2 =	seq.s32 @!p0 s5, $0x0  }
0x1f: {  	s9 =	smul.u32 $0xF7A, s1;
	s8 =	simm.s32 @!p0 $0x1BF5;
	p2 =	por !p2, p0  }
0x20: {  	[sflag:s8] =	ssyncset.s32 @!p0 $0xFFFFF086;
	s6 =	sadd.s32 @!p0 s3, s7;
	s7 =	simm.s32 @!p0 $0x108  }
0x21: {  	s3 =	sadd.s32 s3, s9;
	s6 =	sadd.s32 @!p0 $0x88, s6;
	s7 =	simm.s32 @p2 $0x1082  }
0x22: {  	[simem:s7], [sflag:s8] =	dma.local @!p0 [hbm:s6], $0xF7A  }
0x23: {  	s9 =	sor.u32 $0xD0000000, s2;
	s6 =	simm.s32 $0x108;
	_ =	swait.ge @!p0 [sflag:s8], $0x0  }
0x24: {  	s3 =	sadd.s32 $0x88, s3;
	s6 =	simm.s32 @!p1 $0x1082;
	[sflag:s4] =	ssyncset.s32 $0xFFFFF086  }
0x25: {  	[simem:s6], [sflag:s4] =	dma.local [hbm:s3], $0xF7A  }
0x26: {  	[smem:$0x3F9D] =	sst s1;
	(tag) =	ssettag s2;
	_ =	strace s9  }
0x27: {  	s1 =	sld [smem:$0x3FAD]  }
0x28: {  	s2 =	sld [smem:$0x3FAE]  }
0x29: {  	s4 =	sld [smem:$0x3FB0]  }
0x2a: {  	p0 =	seq.s32 s5, $0x0;
	s5 =	sld [smem:$0x3FB1]  }
0x2b: {  	s6 =	sld [smem:$0x3FB2]  }
0x2c: {  	s7 =	sld [smem:$0x3FB3]  }
0x2d: {  	s3 =	simm.s32 $0x108;
	s8 =	sld [smem:$0x3FB4]  }
0x2e: {  	s3 =	simm.s32 @!p0 $0x1082;
	s9 =	sld [smem:$0x3FB5]  }
0x2f: {  	lr =	sadd.s32 s0, s3;
	s0 =	sld [smem:$0x3FAC]  }
0x30: {  	s3 =	sld [smem:$0x3FAF]  }
0x31: {  	[smem:$0x3FB8] =	sst s10  }
0x32: {  	s10 =	sld [smem:$0x3FB6];
	_ =	sdelay $0x3  }
0x33: {  	p0 =	seq.s32 s10, $0x1;
	s10 =	sld [smem:$0x3FB8];
	_ =	sdelay $0x3  }
0x34: {  	[smem:$0x3FB8] =	sst s10  }
0x35: {  	s10 =	sld [smem:$0x3FB7];
	_ =	sdelay $0x3  }
0x36: {  	p1 =	seq.s32 s10, $0x1;
	s10 =	sld [smem:$0x3FB8];
	_ =	sdelay $0x3  }
0x37: {  	[smem:$0x3FB8] =	sst s10  }
0x38: {  	s10 =	sld [smem:$0x3FB9]  }
0x39: {  	_ = 	snop;
	(pc) =	sbr.ind lr, $3  }
0x3a: {  	_ = 	snop  }
0x3b: {  	_ = 	snop  }
0x3c: {  	p2 =	seq.s32 s10, $0x1;
	s10 =	sld [smem:$0x3FB8]  }
0x3d: {  	_ =	shalt  }
0x3e: {  	_ =	shalt  }
0x3f: {  	_ =	shalt  }
0x40: {  	_ =	shalt  }
0x41: {  	_ =	shalt  }
0x42: {  	_ =	shalt  }
0x43: {  	_ =	shalt  }
0x44: {  	_ =	shalt  }
0x45: {  	_ =	shalt  }
0x46: {  	_ =	shalt  }
0x47: {  	_ =	shalt  }
0x48: {  	_ =	shalt  }
0x49: {  	_ =	shalt  }
0x4a: {  	_ =	shalt  }
0x4b: {  	_ =	shalt  }
0x4c: {  	_ =	shalt  }
0x4d: {  	_ =	shalt  }
0x4e: {  	_ =	shalt  }
0x4f: {  	_ =	shalt  }
0x50: {  	_ =	shalt  }
0x51: {  	_ =	shalt  }
0x52: {  	_ =	shalt  }
0x53: {  	_ =	shalt  }
0x54: {  	_ =	shalt  }
0x55: {  	_ =	shalt  }
0x56: {  	_ =	shalt  }
0x57: {  	_ =	shalt  }
0x58: {  	_ =	shalt  }
0x59: {  	_ =	shalt  }
0x5a: {  	_ =	shalt  }
0x5b: {  	_ =	shalt  }
0x5c: {  	_ =	shalt  }
0x5d: {  	_ =	shalt  }
0x5e: {  	_ =	shalt  }
0x5f: {  	_ =	shalt  }
0x60: {  	_ =	shalt  }
0x61: {  	_ =	shalt  }
0x62: {  	_ =	shalt  }
0x63: {  	_ =	shalt  }
0x64: {  	_ =	shalt  }
0x65: {  	_ =	shalt  }
0x66: {  	_ =	shalt  }
0x67: {  	_ =	shalt  }
0x68: {  	_ =	shalt  }
0x69: {  	_ =	shalt  }
0x6a: {  	_ =	shalt  }
0x6b: {  	_ =	shalt  }
0x6c: {  	_ =	shalt  }
0x6d: {  	_ =	shalt  }
0x6e: {  	_ =	shalt  }
0x6f: {  	_ =	shalt  }
0x70: {  	_ =	shalt  }
0x71: {  	_ =	shalt  }
0x72: {  	_ =	shalt  }
0x73: {  	_ =	shalt  }
0x74: {  	_ =	shalt  }
0x75: {  	_ =	shalt  }
0x76: {  	_ =	shalt  }
0x77: {  	_ =	shalt  }
0x78: {  	_ =	shalt  }
0x79: {  	_ =	shalt  }
0x7a: {  	_ =	shalt  }
0x7b: {  	_ =	shalt  }
0x7c: {  	_ =	shalt  }
0x7d: {  	_ =	shalt  }
0x7e: {  	_ =	shalt  }
0x7f: {  	_ =	shalt  }
0x80: {  	_ =	shalt  }
0x81: {  	_ =	shalt  }
0x82: {  	_ =	shalt  }
0x83: {  	_ =	shalt  }
0x84: {  	_ =	shalt  }
0x85: {  	_ =	shalt  }
0x86: {  	_ =	shalt  }
0x87: {  	_ =	shalt  }
.Lfunc_end0:
.L_simem_size_0:
called_computation.1_lowered:
.L_overlay_start_0:
0x88: {  	s2 =	sld [smem:$0x3FD9]  }
0x89: {  	s3 =	sld [smem:$0x3FFE];
	_ =	sdelay $0x1  }
0x8a: {  	s1 =	srdreg.scid  }
0x8b: {  	s0 =	sand.u32 $0x1, s1  }
0x8c: {  	s16 =	sshll.u32 s0, $0xA;
	s2 =	sadd.s32 s3, s2  }
0x8d: {  	s2 =	sadd.s32 s2, s16  }
0x8e: {  	[smem:$0x3FC4] =	sst s2  }
0x8f: {  	_ = 	snop  }
0x90: {  	(tm) =	ssettm $0x1  }
0x91: {  	s17 =	sld [smem:$0x3FFB];
	_ =	sdelay $0x3  }
0x92: {  	_ =	strace s17  }
0x93: {  	s2 =	sld [smem:$0x3FFC];
	_ =	sdelay $0x3  }
0x94: {  	_ =	strace s2  }
0x95: {  	s2 =	sld [smem:$0x3FFD];
	_ =	sdelay $0x3  }
0x96: {  	_ =	strace s2  }
0x97: {  	_ =	strace $0x8FFFFFFF  }
0x98: {  	s18 =	sld [smem:$0x3FDB];
	_ =	sdelay $0x1  }
0x99: {  	s19 =	simm.s32 $_scs_section_size  }
0x9a: {  	s4 =	simm.s32 $_size__tile_overlayer_lowered;
	s5 =	simm.s32 $_tile_overlayer_lowered  }
0x9b: {  	s22 =	simm.s32 $0x1BFF;
	s21 =	sshll.u32 s5, $0x1;
	s2 =	sadd.s32 s19, s18  }
0x9c: {  	s6 =	simm.s32 $0x0;
	s20 =	sshll.u32 s4, $0x1;
	s4 =	sadd.s32 s21, s2  }
0x9d: {  	[timem:s6], [sflag:s22] =	dma.local [hbm:s4], s20  }
0x9e: {  	_ =	swait.ge [sflag:s22], s20  }
0x9f: {  	s3 =	ssub.s32 $0x0, s20;
	[sflag:s22] =	ssyncset.done $0x0  }
0xa0: {  	[sflag:s22] =	ssyncadd.s32 s3;
	_ =	sdelay $0x1  }
0xa1: {  	s23 =	simm.s32 $0x1B8B  }
0xa2: {  	_ =	swait.ge [sflag:s23], $0x1  }
0xa3: {  	[sflag:s23] =	ssyncset.done $0x0  }
0xa4: {  	s25 =	simm.s32 $0x1B8E;
	s24 =	sld [smem:$0x3FFE];
	[sflag:s23] =	ssyncadd.s32 $0xFFFFFFFF  }
0xa5: {  	s26 =	simm.s32 $execute0_lowered;
	[smem:$0x3FD2] =	sst s25  }
0xa6: {  	s4 =	sshll.u32 s26, $0x1;
	_ =	strace $0x80000049;
	[dreg:$0x1] =	wrdreg $0xFFFFFFFF  }
0xa7: {  	s28 =	simm.s32 $_size_execute0_lowered;
	s2 =	sadd.s32 s2, s4;
	[dreg:$0x0] =	wrdreg $0x0  }
0xa8: {  	s4 =	sshll.u32 s28, $0x1;
	[dreg:$0x2] =	wrdreg s2  }
0xa9: {  	[dreg:$0x3] =	wrdreg s4  }
0xaa: {  	[dreg:$0x4] =	wrdreg $0xC0  }
0xab: {  	_ =	task [dreg:s6], $0x5FFFF  }
0xac: {  	[dreg:$0x1] =	wrdreg $0xFFFFFFFF  }
0xad: {  	[dreg:$0x0] =	wrdreg $0x60  }
0xae: {  	[dreg:$0x2] =	wrdreg s24  }
0xaf: {  	[dreg:$0x3] =	wrdreg $0x9  }
0xb0: {  	_ =	task.clear_ibuf [dreg:s6], $0x4FFFF;
	_ =	strace $0x90000049  }
0xb1: {  	s29 =	simm.s32 $0x9;
	_ =	strace $0x8000004B  }
0xb2: {  	_ =	swait.ge [sflag:s29], $0x1  }
0xb3: {  	[sflag:s29] =	ssyncadd.s32 $0xFFFFFFFF  }
0xb4: {  	_ =	strace $0x9000004B  }
0xb5: {  	_ =	sfence  }
0xb6: {  	s30 =	sld [smem:$0x0];
	_ =	sdelay $0x2  }
0xb7: {  	s31 =	sshll.u32 s1, $0xD;
	s1 =	sshrl.u32 s1, $0x2  }
0xb8: {  	s3 =	sand.u32 $0x4000, s31;
	s1 =	sadd.s32 s1, s30  }
0xb9: {  	s0 =	sor.u32 s3, s0;
	s1 =	sshll.u32 s1, $0x11  }
0xba: {  	s0 =	sor.u32 s1, s0  }
0xbb: {  	s0 =	sadd.s32 $0x8F2B, s0  }
0xbc: {  	[sflag:s0] =	ssyncadd.remote.s32 $0x1  }
0xbd: {  	_ =	sfence.sel $0xFFFF  }
0xbe: {  	[dreg:$0x0] =	wrdreg $0xFFFFFFFF;
	(pc) =	sbr.abs _section_cstart, $3  }
0xbf: {  	[dreg:$0x1] =	wrdreg $0xFFFFFFFF  }
0xc0: {  	_ =	task.clear_ibuf [dreg:s6], $0x2FFFF;
	_ =	strace $0x9FFFFFFF  }
0xc1: {  	(tm) =	ssettm $0x7FFFFFFF  }
tec
execute0_lowered:
.L_overlay_start_1:
0x0: {  	(tag) =	ssettag $0x1  }
0x1: {  	s0 =	rddreg [dreg:$0x0];
	s1 =	srdreg.scid  }
0x2: {  	s2 =	simm.s32 $0x0;
	s3 =	stileid.u32;
	s18 =	simm.s32 $0x1  }
0x3: {  	s20 =	simm.s32 $0x880;
	s21 =	simm.s32 $0x1080;
	s22 =	simm.s32 $0x1880  }
0x4: {  	s28 =	simm.s32 $0x4080;
	s29 =	simm.s32 $0x4880;
	s30 =	simm.s32 $0x5080  }
0x5: {  	s31 =	simm.s32 $0x5880;
	s10 =	simm.s32 $0x7080;
	s11 =	simm.s32 $0x7880  }
0x6: {  	s12 =	simm.s32 $0x8080;
	s13 =	simm.s32 $0x8880;
	s14 =	simm.s32 $0x9080  }
0x7: {  	s15 =	simm.s32 $0x9880;
	s16 =	simm.s32 $0xA080;
	s17 =	simm.s32 $0xA880  }
0x8: {  	s9 =	simm.s32 $0xB080;
	s1 =	sand.u32 $0x1, s1;
	[smem:$0x7FF] =	sst s2  }
0x9: {  	s3 =	sshll.u32 s3, $0x7;
	s4 =	sshll.u32 s1, $0x6;
	_ =	strace $0x8000004A  }
0xa: {  	s1 =	ssub.s32 $0x2, s1;
	s4 =	sor.u32 s4, s3;
	s3 =	sadd.s32 $0xA8E00, s0  }
0xb: {  	s23 =	sshrl.u32 s1, $0x1;
	s5 =	sshrl.u32 s4, $0x3;
	s4 =	sshll.u32 s4, $0x7  }
0xc: {  	s1 =	ssub.s32 s1, s23;
	s23 =	simm.s32 $0x2080;
	s6 =	sadd.s32 s5, s0  }
0xd: {  	s7 =	sadd.s32 s4, s0;
	s4 =	sadd.s32 $0xA8F00, s0;
	s24 =	sadd.s32 $0x8000, s6  }
0xe: {  	s5 =	sadd.s32 $0xA9000, s0;
	s8 =	sadd.s32 $0x8400, s7;
	[dreg:$0x2] =	wrdreg s24  }
0xf: {  	s25 =	sadd.s32 $0x8200, s6;
	s6 =	sadd.s32 $0xA9100, s0;
	[dreg:$0x3] =	wrdreg s8  }
0x10: {  	v2 =	vlaneseq.u32;
	s26 =	sadd.s32 $0x48400, s7;
	s7 =	smax.u32 s1, $0x1;
	[dreg:$0x4] =	wrdreg s25  }
0x11: {  	vm0 =	vmmov $0xffff;
	v1 =	vshrl.u32 v2, $0x3;
	s0 =	simm.s32 $0x80;
	[dreg:$0x5] =	wrdreg s26;
	s8 =	simm.s32 $0x2  }
0x12: {  	v0 =	vand.u32 $0x7, v2;
	v2 =	vor.u32 $0x8, v2;
	v1 =	vmul.u32 $0x8, v1;
	s24 =	simm.s32 $0x2880;
	s25 =	simm.s32 $0x3080;
	s26 =	simm.s32 $0x3880  }
.LBB2_1:
0x13: {  	s19 =	rddreg [dreg:$0x2]  }
0x14: {  	[tilespmem:s2], [sflag:$0x2] =	stream.linear.gather [hbm4b:s19+s2], $0x40, $0x38;
	[tilespmem:$0x10080] =	vst v63  }
0x15: {  	_ =	swait.ge [sflag:s8], $0x40  }
0x16: {  	[sflag:s8] =	ssyncset.done $0x0  }
0x17: {  	[sflag:s8] =	ssyncadd.s32 $0xFFFFFFC0  }
0x18: {  	v3 =	vld [tilespmem:$0x0];
	_ =	sdelay $0x4  }
0x19: {  	v4 =	vshll.u32 v3, $0x3  }
0x1a: {  	v3 =	vand.u32 $0x7, v3;
	v4 =	vand.u32 $0xFFFFFFC0, v4  }
0x1b: {  	v3 =	vor.u32 v3, v4  }
0x1c: {  	v4 =	vperm.xlane v3, v0;
	_ =	sdelay $0x1  }
0x1d: {  	v4 =	vadd.s32 v1, v4;
	_ =	sdelay $0x4  }
0x1e: {  	[tilespmem:s0], [sflag:$0x1] =	stream.indirect_vreg.gather [hbm4b:s3+s2], $0x80, v4, vm0, $0xb8;
	[tilespmem:$0x10080] =	vst v63  }
0x1f: {  	v3 =	vperm.xlane v3, v2  }
0x20: {  	[tilespmem:s20], [sflag:$0x1] =	stream.indirect_vreg.gather [hbm4b:s4+s2], $0x80, v4, vm0, $0xb8;
	[tilespmem:$0x10080] =	vst v63  }
0x21: {  	v3 =	vadd.s32 v1, v3  }
0x22: {  	[tilespmem:s21], [sflag:$0x1] =	stream.indirect_vreg.gather [hbm4b:s5+s2], $0x80, v4, vm0, $0xb8;
	[tilespmem:$0x10080] =	vst v63  }
0x23: {  	_ = 	snop  }
0x24: {  	[tilespmem:s22], [sflag:$0x1] =	stream.indirect_vreg.gather [hbm4b:s6+s2], $0x80, v4, vm0, $0xb8;
	[tilespmem:$0x10080] =	vst v63  }
0x25: {  	_ = 	snop  }
0x26: {  	[tilespmem:s23], [sflag:$0x1] =	stream.indirect_vreg.gather [hbm4b:s3+s2], $0x80, v3, vm0, $0xb8;
	[tilespmem:$0x10080] =	vst v63  }
0x27: {  	_ = 	snop  }
0x28: {  	[tilespmem:s24], [sflag:$0x1] =	stream.indirect_vreg.gather [hbm4b:s4+s2], $0x80, v3, vm0, $0xb8;
	[tilespmem:$0x10080] =	vst v63  }
0x29: {  	_ = 	snop  }
0x2a: {  	[tilespmem:s25], [sflag:$0x1] =	stream.indirect_vreg.gather [hbm4b:s5+s2], $0x80, v3, vm0, $0xb8;
	[tilespmem:$0x10080] =	vst v63  }
0x2b: {  	_ = 	snop  }
0x2c: {  	[tilespmem:s26], [sflag:$0x1] =	stream.indirect_vreg.gather [hbm4b:s6+s2], $0x80, v3, vm0, $0xb8;
	[tilespmem:$0x10080] =	vst v63  }
0x2d: {  	v3 =	vld [tilespmem:$0x10];
	_ =	sdelay $0x4  }
0x2e: {  	v57 =	vshll.u32 v3, $0x3  }
0x2f: {  	v3 =	vand.u32 $0x7, v3;
	v4 =	vand.u32 $0xFFFFFFC0, v57  }
0x30: {  	v3 =	vor.u32 v3, v4  }
0x31: {  	v4 =	vperm.xlane v3, v0;
	_ =	sdelay $0x1  }
0x32: {  	v4 =	vadd.s32 v1, v4;
	_ =	sdelay $0x4  }
0x33: {  	[tilespmem:s28], [sflag:$0x1] =	stream.indirect_vreg.gather [hbm4b:s3+s2], $0x80, v4, vm0, $0xb8;
	[tilespmem:$0x10080] =	vst v63  }
0x34: {  	v3 =	vperm.xlane v3, v2  }
0x35: {  	[tilespmem:s29], [sflag:$0x1] =	stream.indirect_vreg.gather [hbm4b:s4+s2], $0x80, v4, vm0, $0xb8;
	[tilespmem:$0x10080] =	vst v63  }
0x36: {  	v3 =	vadd.s32 v1, v3  }
0x37: {  	[tilespmem:s30], [sflag:$0x1] =	stream.indirect_vreg.gather [hbm4b:s5+s2], $0x80, v4, vm0, $0xb8;
	[tilespmem:$0x10080] =	vst v63  }
0x38: {  	_ = 	snop  }
0x39: {  	[tilespmem:s31], [sflag:$0x1] =	stream.indirect_vreg.gather [hbm4b:s6+s2], $0x80, v4, vm0, $0xb8;
	[tilespmem:$0x10080] =	vst v63  }
0x3a: {  	s1 =	simm.s32 $0x6080  }
0x3b: {  	[tilespmem:s1], [sflag:$0x1] =	stream.indirect_vreg.gather [hbm4b:s3+s2], $0x80, v3, vm0, $0xb8;
	[tilespmem:$0x10080] =	vst v63  }
0x3c: {  	s1 =	simm.s32 $0x6880  }
0x3d: {  	[tilespmem:s1], [sflag:$0x1] =	stream.indirect_vreg.gather [hbm4b:s4+s2], $0x80, v3, vm0, $0xb8;
	[tilespmem:$0x10080] =	vst v63  }
0x3e: {  	_ = 	snop  }
0x3f: {  	[tilespmem:s10], [sflag:$0x1] =	stream.indirect_vreg.gather [hbm4b:s5+s2], $0x80, v3, vm0, $0xb8;
	[tilespmem:$0x10080] =	vst v63  }
0x40: {  	_ = 	snop  }
0x41: {  	[tilespmem:s11], [sflag:$0x1] =	stream.indirect_vreg.gather [hbm4b:s6+s2], $0x80, v3, vm0, $0xb8;
	[tilespmem:$0x10080] =	vst v63  }
0x42: {  	v3 =	vld [tilespmem:$0x20];
	_ =	sdelay $0x4  }
0x43: {  	v58 =	vshll.u32 v3, $0x3  }
0x44: {  	v3 =	vand.u32 $0x7, v3;
	v4 =	vand.u32 $0xFFFFFFC0, v58  }
0x45: {  	v3 =	vor.u32 v3, v4  }
0x46: {  	v4 =	vperm.xlane v3, v0;
	_ =	sdelay $0x1  }
0x47: {  	v4 =	vadd.s32 v1, v4;
	_ =	sdelay $0x4  }
0x48: {  	[tilespmem:s12], [sflag:$0x1] =	stream.indirect_vreg.gather [hbm4b:s3+s2], $0x80, v4, vm0, $0xb8;
	[tilespmem:$0x10080] =	vst v63  }
0x49: {  	v3 =	vperm.xlane v3, v2  }
0x4a: {  	[tilespmem:s13], [sflag:$0x1] =	stream.indirect_vreg.gather [hbm4b:s4+s2], $0x80, v4, vm0, $0xb8;
	[tilespmem:$0x10080] =	vst v63  }
0x4b: {  	v3 =	vadd.s32 v1, v3  }
0x4c: {  	[tilespmem:s14], [sflag:$0x1] =	stream.indirect_vreg.gather [hbm4b:s5+s2], $0x80, v4, vm0, $0xb8;
	[tilespmem:$0x10080] =	vst v63  }
0x4d: {  	_ = 	snop  }
0x4e: {  	[tilespmem:s15], [sflag:$0x1] =	stream.indirect_vreg.gather [hbm4b:s6+s2], $0x80, v4, vm0, $0xb8;
	[tilespmem:$0x10080] =	vst v63  }
0x4f: {  	_ = 	snop  }
0x50: {  	[tilespmem:s16], [sflag:$0x1] =	stream.indirect_vreg.gather [hbm4b:s3+s2], $0x80, v3, vm0, $0xb8;
	[tilespmem:$0x10080] =	vst v63  }
0x51: {  	_ = 	snop  }
0x52: {  	[tilespmem:s17], [sflag:$0x1] =	stream.indirect_vreg.gather [hbm4b:s4+s2], $0x80, v3, vm0, $0xb8;
	[tilespmem:$0x10080] =	vst v63  }
0x53: {  	_ = 	snop  }
0x54: {  	[tilespmem:s9], [sflag:$0x1] =	stream.indirect_vreg.gather [hbm4b:s5+s2], $0x80, v3, vm0, $0xb8;
	[tilespmem:$0x10080] =	vst v63  }
0x55: {  	s19 =	simm.s32 $0xB880  }
0x56: {  	[tilespmem:s19], [sflag:$0x1] =	stream.indirect_vreg.gather [hbm4b:s6+s2], $0x80, v3, vm0, $0xb8;
	[tilespmem:$0x10080] =	vst v63  }
0x57: {  	v3 =	vld [tilespmem:$0x30];
	_ =	sdelay $0x4  }
0x58: {  	v59 =	vshll.u32 v3, $0x3  }
0x59: {  	v3 =	vand.u32 $0x7, v3;
	v4 =	vand.u32 $0xFFFFFFC0, v59  }
0x5a: {  	v3 =	vor.u32 v3, v4  }
0x5b: {  	v4 =	vperm.xlane v3, v0;
	_ =	sdelay $0x1  }
0x5c: {  	v4 =	vadd.s32 v1, v4;
	_ =	sdelay $0x3  }
0x5d: {  	s19 =	simm.s32 $0xC080  }
0x5e: {  	[tilespmem:s19], [sflag:$0x1] =	stream.indirect_vreg.gather [hbm4b:s3+s2], $0x80, v4, vm0, $0xb8;
	[tilespmem:$0x10080] =	vst v63  }
0x5f: {  	v3 =	vperm.xlane v3, v2;
	s19 =	simm.s32 $0xC880  }
0x60: {  	[tilespmem:s19], [sflag:$0x1] =	stream.indirect_vreg.gather [hbm4b:s4+s2], $0x80, v4, vm0, $0xb8;
	[tilespmem:$0x10080] =	vst v63  }
0x61: {  	v3 =	vadd.s32 v1, v3;
	s19 =	simm.s32 $0xD080  }
0x62: {  	[tilespmem:s19], [sflag:$0x1] =	stream.indirect_vreg.gather [hbm4b:s5+s2], $0x80, v4, vm0, $0xb8;
	[tilespmem:$0x10080] =	vst v63  }
0x63: {  	s19 =	simm.s32 $0xD880  }
0x64: {  	[tilespmem:s19], [sflag:$0x1] =	stream.indirect_vreg.gather [hbm4b:s6+s2], $0x80, v4, vm0, $0xb8;
	[tilespmem:$0x10080] =	vst v63  }
0x65: {  	s19 =	simm.s32 $0xE080  }
0x66: {  	[tilespmem:s19], [sflag:$0x1] =	stream.indirect_vreg.gather [hbm4b:s3+s2], $0x80, v3, vm0, $0xb8;
	[tilespmem:$0x10080] =	vst v63  }
0x67: {  	s19 =	simm.s32 $0xE880  }
0x68: {  	[tilespmem:s19], [sflag:$0x1] =	stream.indirect_vreg.gather [hbm4b:s4+s2], $0x80, v3, vm0, $0xb8;
	[tilespmem:$0x10080] =	vst v63  }
0x69: {  	s19 =	simm.s32 $0xF080  }
0x6a: {  	[tilespmem:s19], [sflag:$0x1] =	stream.indirect_vreg.gather [hbm4b:s5+s2], $0x80, v3, vm0, $0xb8;
	[tilespmem:$0x10080] =	vst v63  }
0x6b: {  	s19 =	simm.s32 $0xF880  }
0x6c: {  	[tilespmem:s19], [sflag:$0x1] =	stream.indirect_vreg.gather [hbm4b:s6+s2], $0x80, v3, vm0, $0xb8;
	[tilespmem:$0x10080] =	vst v63  }
0x6d: {  	_ =	swait.ge [sflag:s18], $0x10000  }
0x6e: {  	[sflag:s18] =	ssyncset.done $0x0  }
0x6f: {  	s19 =	rddreg [dreg:$0x3];
	[sflag:s18] =	ssyncadd.s32 $0xFFFF0000  }
0x70: {  	[hbm4b:s19+s2] =	stream.linear.scatter [tilespmem:s0], [sflag:$0x2], $0x10000, $0x38;
	[tilespmem:$0x10080] =	vst v63  }
0x71: {  	_ =	swait.ge [sflag:s8], $0x10000  }
0x72: {  	[sflag:s8] =	ssyncset.done $0x0  }
0x73: {  	s19 =	rddreg [dreg:$0x4];
	[sflag:s8] =	ssyncadd.s32 $0xFFFF0000  }
0x74: {  	[tilespmem:s2], [sflag:$0x2] =	stream.linear.gather [hbm4b:s19+s2], $0x40, $0x38;
	[tilespmem:$0x10080] =	vst v63  }
0x75: {  	_ =	swait.ge [sflag:s8], $0x40  }
0x76: {  	[sflag:s8] =	ssyncset.done $0x0  }
0x77: {  	[sflag:s8] =	ssyncadd.s32 $0xFFFFFFC0  }
0x78: {  	v3 =	vld [tilespmem:$0x0];
	_ =	sdelay $0x4  }
0x79: {  	v60 =	vshll.u32 v3, $0x3  }
0x7a: {  	v3 =	vand.u32 $0x7, v3;
	v4 =	vand.u32 $0xFFFFFFC0, v60  }
0x7b: {  	v3 =	vor.u32 v3, v4  }
0x7c: {  	v4 =	vperm.xlane v3, v0;
	_ =	sdelay $0x1  }
0x7d: {  	v4 =	vadd.s32 v1, v4;
	_ =	sdelay $0x4  }
0x7e: {  	[tilespmem:s0], [sflag:$0x1] =	stream.indirect_vreg.gather [hbm4b:s3+s2], $0x80, v4, vm0, $0xb8;
	[tilespmem:$0x10080] =	vst v63  }
0x7f: {  	v3 =	vperm.xlane v3, v2  }
0x80: {  	[tilespmem:s20], [sflag:$0x1] =	stream.indirect_vreg.gather [hbm4b:s4+s2], $0x80, v4, vm0, $0xb8;
	[tilespmem:$0x10080] =	vst v63  }
0x81: {  	v3 =	vadd.s32 v1, v3  }
0x82: {  	[tilespmem:s21], [sflag:$0x1] =	stream.indirect_vreg.gather [hbm4b:s5+s2], $0x80, v4, vm0, $0xb8;
	[tilespmem:$0x10080] =	vst v63  }
0x83: {  	_ = 	snop  }
0x84: {  	[tilespmem:s22], [sflag:$0x1] =	stream.indirect_vreg.gather [hbm4b:s6+s2], $0x80, v4, vm0, $0xb8;
	[tilespmem:$0x10080] =	vst v63  }
0x85: {  	_ = 	snop  }
0x86: {  	[tilespmem:s23], [sflag:$0x1] =	stream.indirect_vreg.gather [hbm4b:s3+s2], $0x80, v3, vm0, $0xb8;
	[tilespmem:$0x10080] =	vst v63  }
0x87: {  	_ = 	snop  }
0x88: {  	[tilespmem:s24], [sflag:$0x1] =	stream.indirect_vreg.gather [hbm4b:s4+s2], $0x80, v3, vm0, $0xb8;
	[tilespmem:$0x10080] =	vst v63  }
0x89: {  	_ = 	snop  }
0x8a: {  	[tilespmem:s25], [sflag:$0x1] =	stream.indirect_vreg.gather [hbm4b:s5+s2], $0x80, v3, vm0, $0xb8;
	[tilespmem:$0x10080] =	vst v63  }
0x8b: {  	_ = 	snop  }
0x8c: {  	[tilespmem:s26], [sflag:$0x1] =	stream.indirect_vreg.gather [hbm4b:s6+s2], $0x80, v3, vm0, $0xb8;
	[tilespmem:$0x10080] =	vst v63  }
0x8d: {  	v3 =	vld [tilespmem:$0x10];
	_ =	sdelay $0x4  }
0x8e: {  	v61 =	vshll.u32 v3, $0x3  }
0x8f: {  	v3 =	vand.u32 $0x7, v3;
	v4 =	vand.u32 $0xFFFFFFC0, v61  }
0x90: {  	v3 =	vor.u32 v3, v4  }
0x91: {  	v4 =	vperm.xlane v3, v0;
	_ =	sdelay $0x1  }
0x92: {  	v4 =	vadd.s32 v1, v4;
	_ =	sdelay $0x4  }
0x93: {  	[tilespmem:s28], [sflag:$0x1] =	stream.indirect_vreg.gather [hbm4b:s3+s2], $0x80, v4, vm0, $0xb8;
	[tilespmem:$0x10080] =	vst v63  }
0x94: {  	v3 =	vperm.xlane v3, v2  }
0x95: {  	[tilespmem:s29], [sflag:$0x1] =	stream.indirect_vreg.gather [hbm4b:s4+s2], $0x80, v4, vm0, $0xb8;
	[tilespmem:$0x10080] =	vst v63  }
0x96: {  	v3 =	vadd.s32 v1, v3  }
0x97: {  	[tilespmem:s30], [sflag:$0x1] =	stream.indirect_vreg.gather [hbm4b:s5+s2], $0x80, v4, vm0, $0xb8;
	[tilespmem:$0x10080] =	vst v63  }
0x98: {  	_ = 	snop  }
0x99: {  	[tilespmem:s31], [sflag:$0x1] =	stream.indirect_vreg.gather [hbm4b:s6+s2], $0x80, v4, vm0, $0xb8;
	[tilespmem:$0x10080] =	vst v63  }
0x9a: {  	s19 =	simm.s32 $0x6080  }
0x9b: {  	[tilespmem:s19], [sflag:$0x1] =	stream.indirect_vreg.gather [hbm4b:s3+s2], $0x80, v3, vm0, $0xb8;
	[tilespmem:$0x10080] =	vst v63  }
0x9c: {  	_ = 	snop  }
0x9d: {  	[tilespmem:s1], [sflag:$0x1] =	stream.indirect_vreg.gather [hbm4b:s4+s2], $0x80, v3, vm0, $0xb8;
	[tilespmem:$0x10080] =	vst v63  }
0x9e: {  	_ = 	snop  }
0x9f: {  	[tilespmem:s10], [sflag:$0x1] =	stream.indirect_vreg.gather [hbm4b:s5+s2], $0x80, v3, vm0, $0xb8;
	[tilespmem:$0x10080] =	vst v63  }
0xa0: {  	_ = 	snop  }
0xa1: {  	[tilespmem:s11], [sflag:$0x1] =	stream.indirect_vreg.gather [hbm4b:s6+s2], $0x80, v3, vm0, $0xb8;
	[tilespmem:$0x10080] =	vst v63  }
0xa2: {  	v3 =	vld [tilespmem:$0x20];
	_ =	sdelay $0x4  }
0xa3: {  	v62 =	vshll.u32 v3, $0x3  }
0xa4: {  	v3 =	vand.u32 $0x7, v3;
	v4 =	vand.u32 $0xFFFFFFC0, v62  }
0xa5: {  	v3 =	vor.u32 v3, v4  }
0xa6: {  	v4 =	vperm.xlane v3, v0;
	_ =	sdelay $0x1  }
0xa7: {  	v4 =	vadd.s32 v1, v4;
	_ =	sdelay $0x4  }
0xa8: {  	[tilespmem:s12], [sflag:$0x1] =	stream.indirect_vreg.gather [hbm4b:s3+s2], $0x80, v4, vm0, $0xb8;
	[tilespmem:$0x10080] =	vst v63  }
0xa9: {  	v3 =	vperm.xlane v3, v2  }
0xaa: {  	[tilespmem:s13], [sflag:$0x1] =	stream.indirect_vreg.gather [hbm4b:s4+s2], $0x80, v4, vm0, $0xb8;
	[tilespmem:$0x10080] =	vst v63  }
0xab: {  	v3 =	vadd.s32 v1, v3  }
0xac: {  	[tilespmem:s14], [sflag:$0x1] =	stream.indirect_vreg.gather [hbm4b:s5+s2], $0x80, v4, vm0, $0xb8;
	[tilespmem:$0x10080] =	vst v63  }
0xad: {  	_ = 	snop  }
0xae: {  	[tilespmem:s15], [sflag:$0x1] =	stream.indirect_vreg.gather [hbm4b:s6+s2], $0x80, v4, vm0, $0xb8;
	[tilespmem:$0x10080] =	vst v63  }
0xaf: {  	_ = 	snop  }
0xb0: {  	[tilespmem:s16], [sflag:$0x1] =	stream.indirect_vreg.gather [hbm4b:s3+s2], $0x80, v3, vm0, $0xb8;
	[tilespmem:$0x10080] =	vst v63  }
0xb1: {  	_ = 	snop  }
0xb2: {  	[tilespmem:s17], [sflag:$0x1] =	stream.indirect_vreg.gather [hbm4b:s4+s2], $0x80, v3, vm0, $0xb8;
	[tilespmem:$0x10080] =	vst v63  }
0xb3: {  	_ = 	snop  }
0xb4: {  	[tilespmem:s9], [sflag:$0x1] =	stream.indirect_vreg.gather [hbm4b:s5+s2], $0x80, v3, vm0, $0xb8;
	[tilespmem:$0x10080] =	vst v63  }
0xb5: {  	s19 =	simm.s32 $0xB880  }
0xb6: {  	[tilespmem:s19], [sflag:$0x1] =	stream.indirect_vreg.gather [hbm4b:s6+s2], $0x80, v3, vm0, $0xb8;
	[tilespmem:$0x10080] =	vst v63  }
0xb7: {  	v3 =	vld [tilespmem:$0x30];
	_ =	sdelay $0x4  }
0xb8: {  	v63 =	vshll.u32 v3, $0x3  }
0xb9: {  	v3 =	vand.u32 $0x7, v3;
	v4 =	vand.u32 $0xFFFFFFC0, v63  }
0xba: {  	v3 =	vor.u32 v3, v4  }
0xbb: {  	v4 =	vperm.xlane v3, v0;
	_ =	sdelay $0x1  }
0xbc: {  	v4 =	vadd.s32 v1, v4;
	_ =	sdelay $0x3  }
0xbd: {  	s19 =	simm.s32 $0xC080  }
0xbe: {  	[tilespmem:s19], [sflag:$0x1] =	stream.indirect_vreg.gather [hbm4b:s3+s2], $0x80, v4, vm0, $0xb8;
	[tilespmem:$0x10080] =	vst v63  }
0xbf: {  	v3 =	vperm.xlane v3, v2;
	s19 =	simm.s32 $0xC880  }
0xc0: {  	[tilespmem:s19], [sflag:$0x1] =	stream.indirect_vreg.gather [hbm4b:s4+s2], $0x80, v4, vm0, $0xb8;
	[tilespmem:$0x10080] =	vst v63  }
0xc1: {  	v3 =	vadd.s32 v1, v3;
	s19 =	simm.s32 $0xD080  }
0xc2: {  	[tilespmem:s19], [sflag:$0x1] =	stream.indirect_vreg.gather [hbm4b:s5+s2], $0x80, v4, vm0, $0xb8;
	[tilespmem:$0x10080] =	vst v63  }
0xc3: {  	s19 =	simm.s32 $0xD880  }
0xc4: {  	[tilespmem:s19], [sflag:$0x1] =	stream.indirect_vreg.gather [hbm4b:s6+s2], $0x80, v4, vm0, $0xb8;
	[tilespmem:$0x10080] =	vst v63  }
0xc5: {  	s19 =	simm.s32 $0xE080  }
0xc6: {  	[tilespmem:s19], [sflag:$0x1] =	stream.indirect_vreg.gather [hbm4b:s3+s2], $0x80, v3, vm0, $0xb8;
	[tilespmem:$0x10080] =	vst v63  }
0xc7: {  	s19 =	simm.s32 $0xE880  }
0xc8: {  	[tilespmem:s19], [sflag:$0x1] =	stream.indirect_vreg.gather [hbm4b:s4+s2], $0x80, v3, vm0, $0xb8;
	[tilespmem:$0x10080] =	vst v63  }
0xc9: {  	s19 =	simm.s32 $0xF080  }
0xca: {  	[tilespmem:s19], [sflag:$0x1] =	stream.indirect_vreg.gather [hbm4b:s5+s2], $0x80, v3, vm0, $0xb8;
	[tilespmem:$0x10080] =	vst v63  }
0xcb: {  	s19 =	simm.s32 $0xF880  }
0xcc: {  	[tilespmem:s19], [sflag:$0x1] =	stream.indirect_vreg.gather [hbm4b:s6+s2], $0x80, v3, vm0, $0xb8;
	[tilespmem:$0x10080] =	vst v63  }
0xcd: {  	_ =	swait.ge [sflag:s18], $0x10000  }
0xce: {  	p0 =	sne.s32 s7, $0x1;
	[sflag:s18] =	ssyncset.done $0x0  }
.Ltmp0:
0xcf: {  	s1 =	rddreg [dreg:$0x5];
	[sflag:s18] =	ssyncadd.s32 $0xFFFF0000;
	(pc) =	sbr.rel @p0 .LBB2_1-.Ltmp0, $4  }
0xd0: {  	[hbm4b:s1+s2] =	stream.linear.scatter [tilespmem:s0], [sflag:$0x2], $0x10000, $0x38;
	[tilespmem:$0x10080] =	vst v63  }
0xd1: {  	_ =	swait.ge [sflag:s8], $0x10000  }
0xd2: {  	[sflag:s8] =	ssyncset.done $0x0  }
0xd3: {  	s7 =	sadd.s32 $0xFFFFFFFF, s7;
	[sflag:s8] =	ssyncadd.s32 $0xFFFF0000  }
0xd4: {  	_ =	sfence.sel $0x180000  }
0xd5: {  	[bflag:$0x0] =	sbarrier.arrive $0xFFFF  }
0xd6: {  	_ =	strace $0x9000004A  }
0xd7: {  	s0 =	stileid.u32;
	[bflag:$0x2] =	sbarrier.arrive $0xFFFF  }
0xd8: {  	p0 =	sne.s32 s0, $0x0;
	s0 =	rddreg [dreg:$0x1]  }
0xd9: {  	s0 =	sadd.s32 @!p0 $0x100000, s0  }
0xda: {  	[sflag:s0] =	ssyncadd.tile.s32 @!p0 $0x1;
	_ =	shalt  }
.Lfunc_end2:
_tile_overlayer_lowered:
.L_overlay_start_2:
0xdb: {  	(tag) =	ssettag $0x2  }
0xdc: {  	s0 =	rddreg [dreg:$0x0];
	s2 =	stileid.u32  }
0xdd: {  	s1 =	rddreg [dreg:$0x1];
	p0 =	sne.s32 s2, $0x0  }
0xde: {  	s3 =	rddreg [dreg:$0x2];
	[bflag:$0x3] =	sbarrier.arrive $0xFFFF;
	s2 =	simm.s32 @!p0 $0x1C02  }
0xdf: {  	[timem:s3], [sflag:s2] =	dma.local @!p0 [hbm:s0], s1  }
0xe0: {  	s0 =	simm.s32 @!p0 $0x2  }
0xe1: {  	_ =	swait.ge @!p0 [sflag:s0], s1  }
0xe2: {  	s1 =	ssub.s32 @!p0 $0x0, s1;
	[sflag:s0] =	ssyncset.done @!p0 $0x0  }
0xe3: {  	[sflag:s0] =	ssyncadd.s32 @!p0 s1  }
0xe4: {  	[bflag:$0x3] =	sbarrier.arrive $0xFFFF  }
0xe5: {  	_ =	shalt  }

// kernel: kernel.7.cloned.1.call-start
scs
__scs_entry_jumppad:
0x0: {  	(pc) =	sbr.rel $0x88, $3  }
0x1: {  	(tag) =	ssettag $0x0;
	lr =	simm.s32 $0x1  }
0x2: {  	[smem:$0x3F9D] =	sst lr;
	_ =	strace $0xD0000000  }
0x3: {  	_ = 	snop  }
0x4: {  	_ = 	snop  }
0x5: {  	_ = 	snop  }
0x6: {  	_ = 	snop  }
0x7: {  	_ = 	snop  }
__scs_overlays_trampoline_lowered:
0x8: {  	[smem:$0x3FAC] =	sst s0  }
0x9: {  	[smem:$0x3FAD] =	sst s1  }
0xa: {  	[smem:$0x3FAE] =	sst s2  }
0xb: {  	[smem:$0x3FAF] =	sst s3  }
0xc: {  	[smem:$0x3FB0] =	sst s4  }
0xd: {  	[smem:$0x3FB1] =	sst s5  }
0xe: {  	[smem:$0x3FB2] =	sst s6  }
0xf: {  	[smem:$0x3FB3] =	sst s7  }
0x10: {  	[smem:$0x3FB4] =	sst s8  }
0x11: {  	[smem:$0x3FB5] =	sst s9;
	s0 =	simm.s32 @!p0 $0x0  }
0x12: {  	s1 =	sld [smem:$0x3F9B];
	s0 =	simm.s32 @p0 $0x1  }
0x13: {  	[smem:$0x3FB6] =	sst s0;
	s0 =	simm.s32 @!p1 $0x0  }
0x14: {  	s2 =	sld [smem:$0x3F9A];
	s0 =	simm.s32 @p1 $0x1  }
0x15: {  	[smem:$0x3FB7] =	sst s0;
	s0 =	simm.s32 @!p2 $0x0  }
0x16: {  	s3 =	sld [smem:$0x3FDB];
	s0 =	simm.s32 @p2 $0x1  }
0x17: {  	s4 =	simm.s32 $0x1BF5;
	[smem:$0x3FB9] =	sst s0  }
0x18: {  	s0 =	sld [smem:$0x3F9C];
	_ =	swait.ge [sflag:s4], $0x0  }
0x19: {  	s7 =	sld [smem:$0x3F9D]  }
0x1a: {  	s8 =	sadd.s32 $0xFFFFE003, lr  }
0x1b: {  	s9 =	sadd.s32 $0xFFFFFEF7, lr;
	s5 =	simm.s32 $0xFFFFFFFF;
	p2 =	slt.u32 s8, $0xFFFFF086  }
0x1c: {  	p1 =	slt.u32 s9, $0xF7A;
	s5 =	simm.s32 @!p2 $0x0  }
0x1d: {  	s5 =	simm.s32 @p1 $0x1;
	p0 =	seq.s32 s7, s2  }
0x1e: {  	s7 =	smul.u32 @!p0 $0xF7A, s2;
	p2 =	seq.s32 @!p0 s5, $0x0  }
0x1f: {  	s9 =	smul.u32 $0xF7A, s1;
	s8 =	simm.s32 @!p0 $0x1BF5;
	p2 =	por !p2, p0  }
0x20: {  	[sflag:s8] =	ssyncset.s32 @!p0 $0xFFFFF086;
	s6 =	sadd.s32 @!p0 s3, s7;
	s7 =	simm.s32 @!p0 $0x108  }
0x21: {  	s3 =	sadd.s32 s3, s9;
	s6 =	sadd.s32 @!p0 $0x88, s6;
	s7 =	simm.s32 @p2 $0x1082  }
0x22: {  	[simem:s7], [sflag:s8] =	dma.local @!p0 [hbm:s6], $0xF7A  }
0x23: {  	s9 =	sor.u32 $0xD0000000, s2;
	s6 =	simm.s32 $0x108;
	_ =	swait.ge @!p0 [sflag:s8], $0x0  }
0x24: {  	s3 =	sadd.s32 $0x88, s3;
	s6 =	simm.s32 @!p1 $0x1082;
	[sflag:s4] =	ssyncset.s32 $0xFFFFF086  }
0x25: {  	[simem:s6], [sflag:s4] =	dma.local [hbm:s3], $0xF7A  }
0x26: {  	[smem:$0x3F9D] =	sst s1;
	(tag) =	ssettag s2;
	_ =	strace s9  }
0x27: {  	s1 =	sld [smem:$0x3FAD]  }
0x28: {  	s2 =	sld [smem:$0x3FAE]  }
0x29: {  	s4 =	sld [smem:$0x3FB0]  }
0x2a: {  	p0 =	seq.s32 s5, $0x0;
	s5 =	sld [smem:$0x3FB1]  }
0x2b: {  	s6 =	sld [smem:$0x3FB2]  }
0x2c: {  	s7 =	sld [smem:$0x3FB3]  }
0x2d: {  	s3 =	simm.s32 $0x108;
	s8 =	sld [smem:$0x3FB4]  }
0x2e: {  	s3 =	simm.s32 @!p0 $0x1082;
	s9 =	sld [smem:$0x3FB5]  }
0x2f: {  	lr =	sadd.s32 s0, s3;
	s0 =	sld [smem:$0x3FAC]  }
0x30: {  	s3 =	sld [smem:$0x3FAF]  }
0x31: {  	[smem:$0x3FB8] =	sst s10  }
0x32: {  	s10 =	sld [smem:$0x3FB6];
	_ =	sdelay $0x3  }
0x33: {  	p0 =	seq.s32 s10, $0x1;
	s10 =	sld [smem:$0x3FB8];
	_ =	sdelay $0x3  }
0x34: {  	[smem:$0x3FB8] =	sst s10  }
0x35: {  	s10 =	sld [smem:$0x3FB7];
	_ =	sdelay $0x3  }
0x36: {  	p1 =	seq.s32 s10, $0x1;
	s10 =	sld [smem:$0x3FB8];
	_ =	sdelay $0x3  }
0x37: {  	[smem:$0x3FB8] =	sst s10  }
0x38: {  	s10 =	sld [smem:$0x3FB9]  }
0x39: {  	_ = 	snop;
	(pc) =	sbr.ind lr, $3  }
0x3a: {  	_ = 	snop  }
0x3b: {  	_ = 	snop  }
0x3c: {  	p2 =	seq.s32 s10, $0x1;
	s10 =	sld [smem:$0x3FB8]  }
0x3d: {  	_ =	shalt  }
0x3e: {  	_ =	shalt  }
0x3f: {  	_ =	shalt  }
0x40: {  	_ =	shalt  }
0x41: {  	_ =	shalt  }
0x42: {  	_ =	shalt  }
0x43: {  	_ =	shalt  }
0x44: {  	_ =	shalt  }
0x45: {  	_ =	shalt  }
0x46: {  	_ =	shalt  }
0x47: {  	_ =	shalt  }
0x48: {  	_ =	shalt  }
0x49: {  	_ =	shalt  }
0x4a: {  	_ =	shalt  }
0x4b: {  	_ =	shalt  }
0x4c: {  	_ =	shalt  }
0x4d: {  	_ =	shalt  }
0x4e: {  	_ =	shalt  }
0x4f: {  	_ =	shalt  }
0x50: {  	_ =	shalt  }
0x51: {  	_ =	shalt  }
0x52: {  	_ =	shalt  }
0x53: {  	_ =	shalt  }
0x54: {  	_ =	shalt  }
0x55: {  	_ =	shalt  }
0x56: {  	_ =	shalt  }
0x57: {  	_ =	shalt  }
0x58: {  	_ =	shalt  }
0x59: {  	_ =	shalt  }
0x5a: {  	_ =	shalt  }
0x5b: {  	_ =	shalt  }
0x5c: {  	_ =	shalt  }
0x5d: {  	_ =	shalt  }
0x5e: {  	_ =	shalt  }
0x5f: {  	_ =	shalt  }
0x60: {  	_ =	shalt  }
0x61: {  	_ =	shalt  }
0x62: {  	_ =	shalt  }
0x63: {  	_ =	shalt  }
0x64: {  	_ =	shalt  }
0x65: {  	_ =	shalt  }
0x66: {  	_ =	shalt  }
0x67: {  	_ =	shalt  }
0x68: {  	_ =	shalt  }
0x69: {  	_ =	shalt  }
0x6a: {  	_ =	shalt  }
0x6b: {  	_ =	shalt  }
0x6c: {  	_ =	shalt  }
0x6d: {  	_ =	shalt  }
0x6e: {  	_ =	shalt  }
0x6f: {  	_ =	shalt  }
0x70: {  	_ =	shalt  }
0x71: {  	_ =	shalt  }
0x72: {  	_ =	shalt  }
0x73: {  	_ =	shalt  }
0x74: {  	_ =	shalt  }
0x75: {  	_ =	shalt  }
0x76: {  	_ =	shalt  }
0x77: {  	_ =	shalt  }
0x78: {  	_ =	shalt  }
0x79: {  	_ =	shalt  }
0x7a: {  	_ =	shalt  }
0x7b: {  	_ =	shalt  }
0x7c: {  	_ =	shalt  }
0x7d: {  	_ =	shalt  }
0x7e: {  	_ =	shalt  }
0x7f: {  	_ =	shalt  }
0x80: {  	_ =	shalt  }
0x81: {  	_ =	shalt  }
0x82: {  	_ =	shalt  }
0x83: {  	_ =	shalt  }
0x84: {  	_ =	shalt  }
0x85: {  	_ =	shalt  }
0x86: {  	_ =	shalt  }
0x87: {  	_ =	shalt  }
.Lfunc_end0:
.L_simem_size_0:
called_computation_lowered:
.L_overlay_start_0:
0x88: {  	s2 =	sld [smem:$0x3FD9]  }
0x89: {  	s3 =	sld [smem:$0x3FFE];
	_ =	sdelay $0x1  }
0x8a: {  	s1 =	srdreg.scid  }
0x8b: {  	s0 =	sand.u32 $0x1, s1  }
0x8c: {  	s17 =	sshll.u32 s0, $0xA;
	s2 =	sadd.s32 s3, s2  }
0x8d: {  	s2 =	sadd.s32 s2, s17  }
0x8e: {  	[smem:$0x3FC4] =	sst s2  }
0x8f: {  	_ = 	snop  }
0x90: {  	s2 =	sld [smem:$0x3FC9];
	(tm) =	ssettm $0x1  }
0x91: {  	s18 =	sld [smem:$0x3FFB];
	_ =	sdelay $0x3  }
0x92: {  	_ =	strace s18  }
0x93: {  	s3 =	sld [smem:$0x3FFC];
	_ =	sdelay $0x3  }
0x94: {  	_ =	strace s3  }
0x95: {  	s3 =	sld [smem:$0x3FFD];
	_ =	sdelay $0x3  }
0x96: {  	_ =	strace s3  }
0x97: {  	_ =	strace $0x8FFFFFFF  }
0x98: {  	s19 =	sld [smem:$0x3FDB];
	_ =	sdelay $0x1  }
0x99: {  	s4 =	simm.s32 $_scs_section_size  }
0x9a: {  	s5 =	simm.s32 $_size__tile_overlayer_lowered;
	s6 =	simm.s32 $_tile_overlayer_lowered  }
0x9b: {  	s22 =	simm.s32 $0x1BFF;
	s21 =	sshll.u32 s6, $0x1;
	s3 =	sadd.s32 s4, s19  }
0x9c: {  	s7 =	simm.s32 $0x0;
	s20 =	sshll.u32 s5, $0x1;
	s5 =	sadd.s32 s21, s3  }
0x9d: {  	[timem:s7], [sflag:s22] =	dma.local [hbm:s5], s20  }
0x9e: {  	_ =	swait.ge [sflag:s22], s20  }
0x9f: {  	s4 =	ssub.s32 $0x0, s20;
	[sflag:s22] =	ssyncset.done $0x0  }
0xa0: {  	[sflag:s22] =	ssyncadd.s32 s4;
	_ =	sdelay $0x1  }
0xa1: {  	s23 =	simm.s32 $0x1B8B  }
0xa2: {  	_ =	swait.ge [sflag:s23], $0x1  }
0xa3: {  	[sflag:s23] =	ssyncset.done $0x0  }
0xa4: {  	s25 =	simm.s32 $0x1B8E;
	s24 =	sld [smem:$0x3FFE];
	[sflag:s23] =	ssyncadd.s32 $0xFFFFFFFF  }
0xa5: {  	s26 =	simm.s32 $execute0_lowered;
	[smem:$0x3FD2] =	sst s25  }
0xa6: {  	s5 =	sshll.u32 s26, $0x1;
	_ =	strace $0x80000046;
	[dreg:$0x1] =	wrdreg $0xFFFFFFFF  }
0xa7: {  	s28 =	simm.s32 $_size_execute0_lowered;
	s3 =	sadd.s32 s3, s5;
	[dreg:$0x0] =	wrdreg $0x0  }
0xa8: {  	s5 =	sshll.u32 s28, $0x1;
	[dreg:$0x2] =	wrdreg s3  }
0xa9: {  	[dreg:$0x3] =	wrdreg s5  }
0xaa: {  	[dreg:$0x4] =	wrdreg $0xC0  }
0xab: {  	_ =	task [dreg:s7], $0x5FFFF  }
0xac: {  	[dreg:$0x1] =	wrdreg $0xFFFFFFFF  }
0xad: {  	[dreg:$0x0] =	wrdreg $0x60  }
0xae: {  	[dreg:$0x2] =	wrdreg s2  }
0xaf: {  	[dreg:$0x3] =	wrdreg s24  }
0xb0: {  	[dreg:$0x4] =	wrdreg $0x9  }
0xb1: {  	_ =	task.clear_ibuf [dreg:s7], $0x5FFFF;
	_ =	strace $0x90000046  }
0xb2: {  	s29 =	simm.s32 $0x9;
	_ =	strace $0x80000048  }
0xb3: {  	_ =	swait.ge [sflag:s29], $0x1  }
0xb4: {  	[sflag:s29] =	ssyncadd.s32 $0xFFFFFFFF  }
0xb5: {  	_ =	strace $0x90000048  }
0xb6: {  	_ =	sfence  }
0xb7: {  	s30 =	sld [smem:$0x0];
	_ =	sdelay $0x2  }
0xb8: {  	s31 =	sshll.u32 s1, $0xD;
	s1 =	sshrl.u32 s1, $0x2  }
0xb9: {  	s3 =	sand.u32 $0x4000, s31;
	s1 =	sadd.s32 s1, s30  }
0xba: {  	s0 =	sor.u32 s3, s0;
	s1 =	sshll.u32 s1, $0x11  }
0xbb: {  	s0 =	sor.u32 s1, s0  }
0xbc: {  	s0 =	sadd.s32 $0x8F2B, s0  }
0xbd: {  	[sflag:s0] =	ssyncadd.remote.s32 $0x1  }
0xbe: {  	_ =	sfence.sel $0xFFFF  }
0xbf: {  	[dreg:$0x0] =	wrdreg $0xFFFFFFFF;
	(pc) =	sbr.abs _section_cstart, $3  }
0xc0: {  	[dreg:$0x1] =	wrdreg $0xFFFFFFFF  }
0xc1: {  	_ =	task.clear_ibuf [dreg:s7], $0x2FFFF;
	_ =	strace $0x9FFFFFFF  }
0xc2: {  	(tm) =	ssettm $0x7FFFFFFF  }
0xc3: {  	_ =	shalt  }
tec
execute0_lowered:
.L_overlay_start_1:
0x0: {  	(tag) =	ssettag $0x1  }
0x1: {  	s0 =	rddreg [dreg:$0x0]  }
0x2: {  	s1 =	rddreg [dreg:$0x1];
	s2 =	srdreg.scid  }
0x3: {  	s3 =	stileid.u32;
	s9 =	simm.s32 $0x2;
	s26 =	simm.s32 $0x80  }
0x4: {  	s18 =	simm.s32 $0x1;
	s21 =	simm.s32 $0x1900;
	s22 =	simm.s32 $0x2100  }
0x5: {  	s28 =	simm.s32 $0x4900;
	s29 =	simm.s32 $0x5100;
	s30 =	simm.s32 $0x5900  }
0x6: {  	s31 =	simm.s32 $0x6100;
	s10 =	simm.s32 $0x7900;
	s11 =	simm.s32 $0x8100  }
0x7: {  	s12 =	simm.s32 $0x8900;
	s13 =	simm.s32 $0x9100;
	s14 =	simm.s32 $0x9900  }
0x8: {  	s15 =	simm.s32 $0xA100;
	s16 =	simm.s32 $0xA900;
	s17 =	simm.s32 $0xB100  }
0x9: {  	s8 =	simm.s32 $0xB900;
	s4 =	sand.u32 $0x1, s2;
	s2 =	simm.s32 $0x0  }
0xa: {  	s3 =	sshll.u32 s3, $0x7;
	s5 =	sshll.u32 s4, $0x6;
	[smem:$0x7FF] =	sst s2  }
0xb: {  	s4 =	ssub.s32 $0x2, s4;
	s3 =	sor.u32 s5, s3;
	_ =	strace $0x80000047  }
0xc: {  	s24 =	sshrl.u32 s4, $0x1;
	[dreg:$0x6] =	wrdreg s26;
	s26 =	simm.s32 $0x4100  }
0xd: {  	s5 =	sshrl.u32 s3, $0x3;
	s6 =	sshll.u32 s3, $0x7;
	s3 =	sadd.s32 $0x8400, s1  }
0xe: {  	s7 =	ssub.s32 s4, s24;
	s4 =	sadd.s32 $0x8500, s1;
	s24 =	simm.s32 $0x3100  }
0xf: {  	s5 =	sadd.s32 s5, s1;
	s0 =	sadd.s32 s0, s6;
	s6 =	sadd.s32 $0x8700, s1  }
0x10: {  	v2 =	vlaneseq.u32;
	s7 =	smax.u32 s7, $0x1;
	[dreg:$0x3] =	wrdreg s0;
	s23 =	sadd.s32 $0x8000, s5  }
0x11: {  	vm0 =	vmmov $0xffff;
	v1 =	vshrl.u32 v2, $0x3;
	s25 =	sadd.s32 $0x8200, s5;
	s5 =	sadd.s32 $0x8600, s1;
	[dreg:$0x4] =	wrdreg s23  }
0x12: {  	v0 =	vand.u32 $0x7, v2;
	v2 =	vor.u32 $0x8, v2;
	v1 =	vmul.u32 $0x8, v1;
	[dreg:$0x5] =	wrdreg s25;
	s23 =	simm.s32 $0x2900;
	s25 =	simm.s32 $0x3900  }
.LBB2_1:
0x13: {  	s19 =	rddreg [dreg:$0x3];
	s0 =	simm.s32 $0x100  }
0x14: {  	[tilespmem:s0], [sflag:$0x2] =	stream.linear.gather [hbm4b:s19+s2], $0x10000, $0x38;
	[tilespmem:$0x10100] =	vst v63  }
0x15: {  	_ =	swait.ge [sflag:s9], $0x10000  }
0x16: {  	[sflag:s9] =	ssyncset.done $0x0  }
0x17: {  	s20 =	rddreg [dreg:$0x4];
	[sflag:s9] =	ssyncadd.s32 $0xFFFF0000  }
0x18: {  	[tilespmem:s2], [sflag:$0x2] =	stream.linear.gather [hbm4b:s20+s2], $0x40, $0x38;
	[tilespmem:$0x10100] =	vst v63  }
0x19: {  	_ =	swait.ge [sflag:s9], $0x40  }
0x1a: {  	s1 =	rddreg [dreg:$0x5];
	[sflag:s9] =	ssyncset.done $0x0  }
0x1b: {  	s20 =	rddreg [dreg:$0x6];
	[sflag:s9] =	ssyncadd.s32 $0xFFFFFFC0  }
0x1c: {  	[tilespmem:s20], [sflag:$0x2] =	stream.linear.gather [hbm4b:s1+s2], $0x40, $0x38;
	[tilespmem:$0x10100] =	vst v63  }
0x1d: {  	_ =	swait.ge [sflag:s9], $0x40  }
0x1e: {  	[sflag:s9] =	ssyncset.done $0x0  }
0x1f: {  	[sflag:s9] =	ssyncadd.s32 $0xFFFFFFC0  }
0x20: {  	v3 =	vld [tilespmem:$0x0];
	_ =	sdelay $0x4  }
0x21: {  	v4 =	vshll.u32 v3, $0x3  }
0x22: {  	v3 =	vand.u32 $0x7, v3;
	v4 =	vand.u32 $0xFFFFFFC0, v4  }
0x23: {  	v3 =	vor.u32 v3, v4  }
0x24: {  	v4 =	vperm.xlane v3, v0;
	_ =	sdelay $0x1  }
0x25: {  	v4 =	vadd.s32 v1, v4;
	_ =	sdelay $0x4  }
0x26: {  	[hbm4b:s3+s2] =	stream.indirect_vreg.scatter [tilespmem:s0], [sflag:$0x1], $0x80, v4, vm0, $0xb8;
	[tilespmem:$0x10100] =	vst v63  }
0x27: {  	s19 =	simm.s32 $0x900;
	v3 =	vperm.xlane v3, v2  }
0x28: {  	[hbm4b:s4+s2] =	stream.indirect_vreg.scatter [tilespmem:s19], [sflag:$0x1], $0x80, v4, vm0, $0xb8;
	[tilespmem:$0x10100] =	vst v63  }
0x29: {  	s20 =	simm.s32 $0x1100;
	v3 =	vadd.s32 v1, v3  }
0x2a: {  	[hbm4b:s5+s2] =	stream.indirect_vreg.scatter [tilespmem:s20], [sflag:$0x1], $0x80, v4, vm0, $0xb8;
	[tilespmem:$0x10100] =	vst v63  }
0x2b: {  	_ = 	snop  }
0x2c: {  	[hbm4b:s6+s2] =	stream.indirect_vreg.scatter [tilespmem:s21], [sflag:$0x1], $0x80, v4, vm0, $0xb8;
	[tilespmem:$0x10100] =	vst v63  }
0x2d: {  	_ = 	snop  }
0x2e: {  	[hbm4b:s3+s2] =	stream.indirect_vreg.scatter [tilespmem:s22], [sflag:$0x1], $0x80, v3, vm0, $0xb8;
	[tilespmem:$0x10100] =	vst v63  }
0x2f: {  	_ = 	snop  }
0x30: {  	[hbm4b:s4+s2] =	stream.indirect_vreg.scatter [tilespmem:s23], [sflag:$0x1], $0x80, v3, vm0, $0xb8;
	[tilespmem:$0x10100] =	vst v63  }
0x31: {  	_ = 	snop  }
0x32: {  	[hbm4b:s5+s2] =	stream.indirect_vreg.scatter [tilespmem:s24], [sflag:$0x1], $0x80, v3, vm0, $0xb8;
	[tilespmem:$0x10100] =	vst v63  }
0x33: {  	_ = 	snop  }
0x34: {  	[hbm4b:s6+s2] =	stream.indirect_vreg.scatter [tilespmem:s25], [sflag:$0x1], $0x80, v3, vm0, $0xb8;
	[tilespmem:$0x10100] =	vst v63  }
0x35: {  	v3 =	vld [tilespmem:$0x10];
	_ =	sdelay $0x4  }
0x36: {  	v57 =	vshll.u32 v3, $0x3  }
0x37: {  	v3 =	vand.u32 $0x7, v3;
	v4 =	vand.u32 $0xFFFFFFC0, v57  }
0x38: {  	v3 =	vor.u32 v3, v4  }
0x39: {  	v4 =	vperm.xlane v3, v0;
	_ =	sdelay $0x1  }
0x3a: {  	v4 =	vadd.s32 v1, v4;
	_ =	sdelay $0x4  }
0x3b: {  	[hbm4b:s3+s2] =	stream.indirect_vreg.scatter [tilespmem:s26], [sflag:$0x1], $0x80, v4, vm0, $0xb8;
	[tilespmem:$0x10100] =	vst v63  }
0x3c: {  	v3 =	vperm.xlane v3, v2  }
0x3d: {  	[hbm4b:s4+s2] =	stream.indirect_vreg.scatter [tilespmem:s28], [sflag:$0x1], $0x80, v4, vm0, $0xb8;
	[tilespmem:$0x10100] =	vst v63  }
0x3e: {  	v3 =	vadd.s32 v1, v3  }
0x3f: {  	[hbm4b:s5+s2] =	stream.indirect_vreg.scatter [tilespmem:s29], [sflag:$0x1], $0x80, v4, vm0, $0xb8;
	[tilespmem:$0x10100] =	vst v63  }
0x40: {  	_ = 	snop  }
0x41: {  	[hbm4b:s6+s2] =	stream.indirect_vreg.scatter [tilespmem:s30], [sflag:$0x1], $0x80, v4, vm0, $0xb8;
	[tilespmem:$0x10100] =	vst v63  }
0x42: {  	_ = 	snop  }
0x43: {  	[hbm4b:s3+s2] =	stream.indirect_vreg.scatter [tilespmem:s31], [sflag:$0x1], $0x80, v3, vm0, $0xb8;
	[tilespmem:$0x10100] =	vst v63  }
0x44: {  	s1 =	simm.s32 $0x6900  }
0x45: {  	[hbm4b:s4+s2] =	stream.indirect_vreg.scatter [tilespmem:s1], [sflag:$0x1], $0x80, v3, vm0, $0xb8;
	[tilespmem:$0x10100] =	vst v63  }
0x46: {  	s1 =	simm.s32 $0x7100  }
0x47: {  	[hbm4b:s5+s2] =	stream.indirect_vreg.scatter [tilespmem:s1], [sflag:$0x1], $0x80, v3, vm0, $0xb8;
	[tilespmem:$0x10100] =	vst v63  }
0x48: {  	_ = 	snop  }
0x49: {  	[hbm4b:s6+s2] =	stream.indirect_vreg.scatter [tilespmem:s10], [sflag:$0x1], $0x80, v3, vm0, $0xb8;
	[tilespmem:$0x10100] =	vst v63  }
0x4a: {  	v3 =	vld [tilespmem:$0x20];
	_ =	sdelay $0x4  }
0x4b: {  	v58 =	vshll.u32 v3, $0x3  }
0x4c: {  	v3 =	vand.u32 $0x7, v3;
	v4 =	vand.u32 $0xFFFFFFC0, v58  }
0x4d: {  	v3 =	vor.u32 v3, v4  }
0x4e: {  	v4 =	vperm.xlane v3, v0;
	_ =	sdelay $0x1  }
0x4f: {  	v4 =	vadd.s32 v1, v4;
	_ =	sdelay $0x4  }
0x50: {  	[hbm4b:s3+s2] =	stream.indirect_vreg.scatter [tilespmem:s11], [sflag:$0x1], $0x80, v4, vm0, $0xb8;
	[tilespmem:$0x10100] =	vst v63  }
0x51: {  	v3 =	vperm.xlane v3, v2  }
0x52: {  	[hbm4b:s4+s2] =	stream.indirect_vreg.scatter [tilespmem:s12], [sflag:$0x1], $0x80, v4, vm0, $0xb8;
	[tilespmem:$0x10100] =	vst v63  }
0x53: {  	v3 =	vadd.s32 v1, v3  }
0x54: {  	[hbm4b:s5+s2] =	stream.indirect_vreg.scatter [tilespmem:s13], [sflag:$0x1], $0x80, v4, vm0, $0xb8;
	[tilespmem:$0x10100] =	vst v63  }
0x55: {  	_ = 	snop  }
0x56: {  	[hbm4b:s6+s2] =	stream.indirect_vreg.scatter [tilespmem:s14], [sflag:$0x1], $0x80, v4, vm0, $0xb8;
	[tilespmem:$0x10100] =	vst v63  }
0x57: {  	_ = 	snop  }
0x58: {  	[hbm4b:s3+s2] =	stream.indirect_vreg.scatter [tilespmem:s15], [sflag:$0x1], $0x80, v3, vm0, $0xb8;
	[tilespmem:$0x10100] =	vst v63  }
0x59: {  	_ = 	snop  }
0x5a: {  	[hbm4b:s4+s2] =	stream.indirect_vreg.scatter [tilespmem:s16], [sflag:$0x1], $0x80, v3, vm0, $0xb8;
	[tilespmem:$0x10100] =	vst v63  }
0x5b: {  	_ = 	snop  }
0x5c: {  	[hbm4b:s5+s2] =	stream.indirect_vreg.scatter [tilespmem:s17], [sflag:$0x1], $0x80, v3, vm0, $0xb8;
	[tilespmem:$0x10100] =	vst v63  }
0x5d: {  	_ = 	snop  }
0x5e: {  	[hbm4b:s6+s2] =	stream.indirect_vreg.scatter [tilespmem:s8], [sflag:$0x1], $0x80, v3, vm0, $0xb8;
	[tilespmem:$0x10100] =	vst v63  }
0x5f: {  	v3 =	vld [tilespmem:$0x30];
	_ =	sdelay $0x4  }
0x60: {  	v59 =	vshll.u32 v3, $0x3  }
0x61: {  	v3 =	vand.u32 $0x7, v3;
	v4 =	vand.u32 $0xFFFFFFC0, v59  }
0x62: {  	v3 =	vor.u32 v3, v4  }
0x63: {  	v4 =	vperm.xlane v3, v0;
	_ =	sdelay $0x1  }
0x64: {  	v4 =	vadd.s32 v1, v4;
	_ =	sdelay $0x3  }
0x65: {  	s1 =	simm.s32 $0xC100  }
0x66: {  	[hbm4b:s3+s2] =	stream.indirect_vreg.scatter [tilespmem:s1], [sflag:$0x1], $0x80, v4, vm0, $0xb8;
	[tilespmem:$0x10100] =	vst v63  }
0x67: {  	v3 =	vperm.xlane v3, v2;
	s1 =	simm.s32 $0xC900  }
0x68: {  	[hbm4b:s4+s2] =	stream.indirect_vreg.scatter [tilespmem:s1], [sflag:$0x1], $0x80, v4, vm0, $0xb8;
	[tilespmem:$0x10100] =	vst v63  }
0x69: {  	v3 =	vadd.s32 v1, v3;
	s1 =	simm.s32 $0xD100  }
0x6a: {  	[hbm4b:s5+s2] =	stream.indirect_vreg.scatter [tilespmem:s1], [sflag:$0x1], $0x80, v4, vm0, $0xb8;
	[tilespmem:$0x10100] =	vst v63  }
0x6b: {  	s1 =	simm.s32 $0xD900  }
0x6c: {  	[hbm4b:s6+s2] =	stream.indirect_vreg.scatter [tilespmem:s1], [sflag:$0x1], $0x80, v4, vm0, $0xb8;
	[tilespmem:$0x10100] =	vst v63  }
0x6d: {  	s1 =	simm.s32 $0xE100  }
0x6e: {  	[hbm4b:s3+s2] =	stream.indirect_vreg.scatter [tilespmem:s1], [sflag:$0x1], $0x80, v3, vm0, $0xb8;
	[tilespmem:$0x10100] =	vst v63  }
0x6f: {  	s1 =	simm.s32 $0xE900  }
0x70: {  	[hbm4b:s4+s2] =	stream.indirect_vreg.scatter [tilespmem:s1], [sflag:$0x1], $0x80, v3, vm0, $0xb8;
	[tilespmem:$0x10100] =	vst v63  }
0x71: {  	s1 =	simm.s32 $0xF100  }
0x72: {  	[hbm4b:s5+s2] =	stream.indirect_vreg.scatter [tilespmem:s1], [sflag:$0x1], $0x80, v3, vm0, $0xb8;
	[tilespmem:$0x10100] =	vst v63  }
0x73: {  	s1 =	simm.s32 $0xF900  }
0x74: {  	[hbm4b:s6+s2] =	stream.indirect_vreg.scatter [tilespmem:s1], [sflag:$0x1], $0x80, v3, vm0, $0xb8;
	[tilespmem:$0x10100] =	vst v63  }
0x75: {  	_ =	swait.ge [sflag:s18], $0x10000  }
0x76: {  	[sflag:s18] =	ssyncset.done $0x0  }
0x77: {  	[sflag:s18] =	ssyncadd.s32 $0xFFFF0000  }
0x78: {  	v3 =	vld [tilespmem:$0x80];
	_ =	sdelay $0x4  }
0x79: {  	v60 =	vshll.u32 v3, $0x3  }
0x7a: {  	v3 =	vand.u32 $0x7, v3;
	v4 =	vand.u32 $0xFFFFFFC0, v60  }
0x7b: {  	v3 =	vor.u32 v3, v4  }
0x7c: {  	v4 =	vperm.xlane v3, v0;
	_ =	sdelay $0x1  }
0x7d: {  	v4 =	vadd.s32 v1, v4;
	_ =	sdelay $0x4  }
0x7e: {  	[hbm4b:s3+s2] =	stream.indirect_vreg.scatter [tilespmem:s0], [sflag:$0x1], $0x80, v4, vm0, $0xb8;
	[tilespmem:$0x10100] =	vst v63  }
0x7f: {  	v3 =	vperm.xlane v3, v2  }
0x80: {  	[hbm4b:s4+s2] =	stream.indirect_vreg.scatter [tilespmem:s19], [sflag:$0x1], $0x80, v4, vm0, $0xb8;
	[tilespmem:$0x10100] =	vst v63  }
0x81: {  	v3 =	vadd.s32 v1, v3  }
0x82: {  	[hbm4b:s5+s2] =	stream.indirect_vreg.scatter [tilespmem:s20], [sflag:$0x1], $0x80, v4, vm0, $0xb8;
	[tilespmem:$0x10100] =	vst v63  }
0x83: {  	_ = 	snop  }
0x84: {  	[hbm4b:s6+s2] =	stream.indirect_vreg.scatter [tilespmem:s21], [sflag:$0x1], $0x80, v4, vm0, $0xb8;
	[tilespmem:$0x10100] =	vst v63  }
0x85: {  	_ = 	snop  }
0x86: {  	[hbm4b:s3+s2] =	stream.indirect_vreg.scatter [tilespmem:s22], [sflag:$0x1], $0x80, v3, vm0, $0xb8;
	[tilespmem:$0x10100] =	vst v63  }
0x87: {  	_ = 	snop  }
0x88: {  	[hbm4b:s4+s2] =	stream.indirect_vreg.scatter [tilespmem:s23], [sflag:$0x1], $0x80, v3, vm0, $0xb8;
	[tilespmem:$0x10100] =	vst v63  }
0x89: {  	_ = 	snop  }
0x8a: {  	[hbm4b:s5+s2] =	stream.indirect_vreg.scatter [tilespmem:s24], [sflag:$0x1], $0x80, v3, vm0, $0xb8;
	[tilespmem:$0x10100] =	vst v63  }
0x8b: {  	_ = 	snop  }
0x8c: {  	[hbm4b:s6+s2] =	stream.indirect_vreg.scatter [tilespmem:s25], [sflag:$0x1], $0x80, v3, vm0, $0xb8;
	[tilespmem:$0x10100] =	vst v63  }
0x8d: {  	v3 =	vld [tilespmem:$0x90];
	_ =	sdelay $0x4  }
0x8e: {  	v61 =	vshll.u32 v3, $0x3  }
0x8f: {  	v3 =	vand.u32 $0x7, v3;
	v4 =	vand.u32 $0xFFFFFFC0, v61  }
0x90: {  	v3 =	vor.u32 v3, v4  }
0x91: {  	v4 =	vperm.xlane v3, v0;
	_ =	sdelay $0x1  }
0x92: {  	v4 =	vadd.s32 v1, v4;
	_ =	sdelay $0x4  }
0x93: {  	[hbm4b:s3+s2] =	stream.indirect_vreg.scatter [tilespmem:s26], [sflag:$0x1], $0x80, v4, vm0, $0xb8;
	[tilespmem:$0x10100] =	vst v63  }
0x94: {  	v3 =	vperm.xlane v3, v2  }
0x95: {  	[hbm4b:s4+s2] =	stream.indirect_vreg.scatter [tilespmem:s28], [sflag:$0x1], $0x80, v4, vm0, $0xb8;
	[tilespmem:$0x10100] =	vst v63  }
0x96: {  	v3 =	vadd.s32 v1, v3  }
0x97: {  	[hbm4b:s5+s2] =	stream.indirect_vreg.scatter [tilespmem:s29], [sflag:$0x1], $0x80, v4, vm0, $0xb8;
	[tilespmem:$0x10100] =	vst v63  }
0x98: {  	_ = 	snop  }
0x99: {  	[hbm4b:s6+s2] =	stream.indirect_vreg.scatter [tilespmem:s30], [sflag:$0x1], $0x80, v4, vm0, $0xb8;
	[tilespmem:$0x10100] =	vst v63  }
0x9a: {  	_ = 	snop  }
0x9b: {  	[hbm4b:s3+s2] =	stream.indirect_vreg.scatter [tilespmem:s31], [sflag:$0x1], $0x80, v3, vm0, $0xb8;
	[tilespmem:$0x10100] =	vst v63  }
0x9c: {  	s20 =	simm.s32 $0x6900  }
0x9d: {  	[hbm4b:s4+s2] =	stream.indirect_vreg.scatter [tilespmem:s20], [sflag:$0x1], $0x80, v3, vm0, $0xb8;
	[tilespmem:$0x10100] =	vst v63  }
0x9e: {  	s19 =	simm.s32 $0x7100  }
0x9f: {  	[hbm4b:s5+s2] =	stream.indirect_vreg.scatter [tilespmem:s19], [sflag:$0x1], $0x80, v3, vm0, $0xb8;
	[tilespmem:$0x10100] =	vst v63  }
0xa0: {  	_ = 	snop  }
0xa1: {  	[hbm4b:s6+s2] =	stream.indirect_vreg.scatter [tilespmem:s10], [sflag:$0x1], $0x80, v3, vm0, $0xb8;
	[tilespmem:$0x10100] =	vst v63  }
0xa2: {  	v3 =	vld [tilespmem:$0xA0];
	_ =	sdelay $0x4  }
0xa3: {  	v62 =	vshll.u32 v3, $0x3  }
0xa4: {  	v3 =	vand.u32 $0x7, v3;
	v4 =	vand.u32 $0xFFFFFFC0, v62  }
0xa5: {  	v3 =	vor.u32 v3, v4  }
0xa6: {  	v4 =	vperm.xlane v3, v0;
	_ =	sdelay $0x1  }
0xa7: {  	v4 =	vadd.s32 v1, v4;
	_ =	sdelay $0x4  }
0xa8: {  	[hbm4b:s3+s2] =	stream.indirect_vreg.scatter [tilespmem:s11], [sflag:$0x1], $0x80, v4, vm0, $0xb8;
	[tilespmem:$0x10100] =	vst v63  }
0xa9: {  	v3 =	vperm.xlane v3, v2  }
0xaa: {  	[hbm4b:s4+s2] =	stream.indirect_vreg.scatter [tilespmem:s12], [sflag:$0x1], $0x80, v4, vm0, $0xb8;
	[tilespmem:$0x10100] =	vst v63  }
0xab: {  	v3 =	vadd.s32 v1, v3  }
0xac: {  	[hbm4b:s5+s2] =	stream.indirect_vreg.scatter [tilespmem:s13], [sflag:$0x1], $0x80, v4, vm0, $0xb8;
	[tilespmem:$0x10100] =	vst v63  }
0xad: {  	_ = 	snop  }
0xae: {  	[hbm4b:s6+s2] =	stream.indirect_vreg.scatter [tilespmem:s14], [sflag:$0x1], $0x80, v4, vm0, $0xb8;
	[tilespmem:$0x10100] =	vst v63  }
0xaf: {  	_ = 	snop  }
0xb0: {  	[hbm4b:s3+s2] =	stream.indirect_vreg.scatter [tilespmem:s15], [sflag:$0x1], $0x80, v3, vm0, $0xb8;
	[tilespmem:$0x10100] =	vst v63  }
0xb1: {  	_ = 	snop  }
0xb2: {  	[hbm4b:s4+s2] =	stream.indirect_vreg.scatter [tilespmem:s16], [sflag:$0x1], $0x80, v3, vm0, $0xb8;
	[tilespmem:$0x10100] =	vst v63  }
0xb3: {  	_ = 	snop  }
0xb4: {  	[hbm4b:s5+s2] =	stream.indirect_vreg.scatter [tilespmem:s17], [sflag:$0x1], $0x80, v3, vm0, $0xb8;
	[tilespmem:$0x10100] =	vst v63  }
0xb5: {  	_ = 	snop  }
0xb6: {  	[hbm4b:s6+s2] =	stream.indirect_vreg.scatter [tilespmem:s8], [sflag:$0x1], $0x80, v3, vm0, $0xb8;
	[tilespmem:$0x10100] =	vst v63  }
0xb7: {  	v3 =	vld [tilespmem:$0xB0];
	_ =	sdelay $0x4  }
0xb8: {  	v63 =	vshll.u32 v3, $0x3  }
0xb9: {  	v3 =	vand.u32 $0x7, v3;
	v4 =	vand.u32 $0xFFFFFFC0, v63  }
0xba: {  	v3 =	vor.u32 v3, v4  }
0xbb: {  	v4 =	vperm.xlane v3, v0;
	_ =	sdelay $0x1  }
0xbc: {  	v4 =	vadd.s32 v1, v4;
	_ =	sdelay $0x3  }
0xbd: {  	s20 =	simm.s32 $0xC100  }
0xbe: {  	[hbm4b:s3+s2] =	stream.indirect_vreg.scatter [tilespmem:s20], [sflag:$0x1], $0x80, v4, vm0, $0xb8;
	[tilespmem:$0x10100] =	vst v63  }
0xbf: {  	s19 =	simm.s32 $0xC900;
	v3 =	vperm.xlane v3, v2  }
0xc0: {  	[hbm4b:s4+s2] =	stream.indirect_vreg.scatter [tilespmem:s19], [sflag:$0x1], $0x80, v4, vm0, $0xb8;
	[tilespmem:$0x10100] =	vst v63  }
0xc1: {  	v3 =	vadd.s32 v1, v3;
	s20 =	simm.s32 $0xD100  }
0xc2: {  	[hbm4b:s5+s2] =	stream.indirect_vreg.scatter [tilespmem:s20], [sflag:$0x1], $0x80, v4, vm0, $0xb8;
	[tilespmem:$0x10100] =	vst v63  }
0xc3: {  	s19 =	simm.s32 $0xD900  }
0xc4: {  	[hbm4b:s6+s2] =	stream.indirect_vreg.scatter [tilespmem:s19], [sflag:$0x1], $0x80, v4, vm0, $0xb8;
	[tilespmem:$0x10100] =	vst v63  }
0xc5: {  	s20 =	simm.s32 $0xE100  }
0xc6: {  	[hbm4b:s3+s2] =	stream.indirect_vreg.scatter [tilespmem:s20], [sflag:$0x1], $0x80, v3, vm0, $0xb8;
	[tilespmem:$0x10100] =	vst v63  }
0xc7: {  	s19 =	simm.s32 $0xE900  }
0xc8: {  	[hbm4b:s4+s2] =	stream.indirect_vreg.scatter [tilespmem:s19], [sflag:$0x1], $0x80, v3, vm0, $0xb8;
	[tilespmem:$0x10100] =	vst v63  }
0xc9: {  	p0 =	sne.s32 s7, $0x1;
	s20 =	simm.s32 $0xF100  }
0xca: {  	[hbm4b:s5+s2] =	stream.indirect_vreg.scatter [tilespmem:s20], [sflag:$0x1], $0x80, v3, vm0, $0xb8;
	[tilespmem:$0x10100] =	vst v63  }
.Ltmp0:
0xcb: {  	_ = 	snop;
	(pc) =	sbr.rel @p0 .LBB2_1-.Ltmp0, $4  }
0xcc: {  	[hbm4b:s6+s2] =	stream.indirect_vreg.scatter [tilespmem:s1], [sflag:$0x1], $0x80, v3, vm0, $0xb8;
	[tilespmem:$0x10100] =	vst v63  }
0xcd: {  	_ =	swait.ge [sflag:s18], $0x10000  }
0xce: {  	[sflag:s18] =	ssyncset.done $0x0  }
0xcf: {  	s7 =	sadd.s32 $0xFFFFFFFF, s7;
	[sflag:s18] =	ssyncadd.s32 $0xFFFF0000  }
0xd0: {  	_ =	sfence.sel $0x180000  }
0xd1: {  	[bflag:$0x0] =	sbarrier.arrive $0xFFFF  }
0xd2: {  	_ =	strace $0x90000047  }
0xd3: {  	s0 =	stileid.u32;
	[bflag:$0x2] =	sbarrier.arrive $0xFFFF  }
0xd4: {  	p0 =	sne.s32 s0, $0x0;
	s0 =	rddreg [dreg:$0x2]  }
0xd5: {  	s0 =	sadd.s32 @!p0 $0x100000, s0  }
0xd6: {  	[sflag:s0] =	ssyncadd.tile.s32 @!p0 $0x1;
	_ =	shalt  }
.Lfunc_end2:
_tile_overlayer_lowered:
.L_overlay_start_2:
0xd7: {  	(tag) =	ssettag $0x2  }
0xd8: {  	s0 =	rddreg [dreg:$0x0];
	s2 =	stileid.u32  }
0xd9: {  	s1 =	rddreg [dreg:$0x1];
	p0 =	sne.s32 s2, $0x0  }
0xda: {  	s3 =	rddreg [dreg:$0x2];
	[bflag:$0x3] =	sbarrier.arrive $0xFFFF;
	s2 =	simm.s32 @!p0 $0x1C02  }
0xdb: {  	[timem:s3], [sflag:s2] =	dma.local @!p0 [hbm:s0], s1  }
0xdc: {  	s0 =	simm.s32 @!p0 $0x2  }
0xdd: {  	_ =	swait.ge @!p0 [sflag:s0], s1  }
0xde: {  	s1 =	ssub.s32 @!p0 $0x0, s1;
	[sflag:s0] =	ssyncset.done @!p0 $0x0  }
0xdf: {  	[sflag:s0] =	ssyncadd.s32 @!p0 s1  }
0xe0: {  	[bflag:$0x3] =	sbarrier.arrive $0xFFFF  }
0xe1: {  	_ =	shalt  }

</sc_bundles>
